<compile_context>
chip_gen: v7x
topology: tpu7x:2x2x1
jax: 0.10.2.dev20260603
libtpu: 0.0.44.dev20260713+nightly
codegen_flags: <defaults>
</compile_context>

<pallas_src>
import functools

import jax
import jax.numpy as jnp
from jax import lax
from jax.experimental import pallas as pl
from jax.experimental.pallas import tpu as pltpu
from jax.experimental.pallas import tpu_sc as plsc

H = 768
E = 8
T = 2
TD = 32
K = 2
I = 628
AD = T * TD
S = 2048

BLK = 512
NB = (S * K) // BLK + E
NSLOT = NB * BLK
RBLK = 256
RN = S // RBLK
SC_CH = S // 32

_HP = lax.Precision.HIGHEST
_DP = lax.Precision.DEFAULT
_BF = jnp.bfloat16
_F32 = jnp.float32


def _dott(a, b, prec):
    return lax.dot_general(a, b, (((1,), (1,)), ((), ())), precision=prec,
                           preferred_element_type=_F32)


def _softmax_lanes(v):
    m = jnp.max(v, axis=-1, keepdims=True)
    e = jnp.exp(v - m)
    return e / jnp.sum(e, axis=-1, keepdims=True)


def _r1_body(x_ref, te_ref, win_ref, bin_ref, wint_ref, bint_ref,
             wr_ref, br_ref, ap_ref, o_ref):
    x = x_ref[...]
    te = te_ref[...]
    win = win_ref[...]
    h1 = (_dott(x, win[:, :H], _HP) + _dott(te, win[:, H:], _HP)
          + bin_ref[...])
    h1 = jnp.maximum(h1, 0.0)
    h2 = jnp.maximum(_dott(h1, wint_ref[...], _HP) + bint_ref[...], 0.0)
    logits = _dott(h2, wr_ref[...], _HP) + br_ref[...]
    sm = _softmax_lanes(logits)
    sa = _softmax_lanes(jnp.dot(te[:, :TD], ap_ref[...], precision=_HP))
    sb = _softmax_lanes(jnp.dot(te[:, TD:], ap_ref[...], precision=_HP))
    o_ref[...] = sm * (0.5 * (sa + sb))


def _r2_body(p_ref, c0_ref, c1_ref, w0_ref, w1_ref, si_ref, ent_ref):
    p = p_ref[...]
    idx = lax.broadcasted_iota(jnp.int32, (S, E), 1)
    m1 = jnp.max(p, axis=-1, keepdims=True)
    i1 = jnp.min(jnp.where(p >= m1, idx, E), axis=-1, keepdims=True)
    p2 = jnp.where(idx == i1, -jnp.inf, p)
    m2 = jnp.max(p2, axis=-1, keepdims=True)
    i2 = jnp.min(jnp.where(p2 >= m2, idx, E), axis=-1, keepdims=True)
    oh1 = idx == i1
    oh2 = idx == i2
    mask = jnp.where(oh1 | oh2, 1.0, 0.0).astype(_F32)
    pm = p * mask
    ent_ref[...] = -jnp.sum(pm * jnp.log(pm + 1e-8), axis=(0, 1),
                            keepdims=True) / S
    tri = jnp.where(lax.broadcasted_iota(jnp.int32, (S, S), 0)
                    >= lax.broadcasted_iota(jnp.int32, (S, S), 1),
                    1.0, 0.0).astype(_BF)
    rank = jnp.dot(tri, mask.astype(_BF),
                   preferred_element_type=_F32) - 1.0
    cnt = rank[S - 1:S, :] + 1.0
    bl = jnp.floor((cnt + (BLK - 1)) / BLK)
    upper = jnp.where(
        lax.broadcasted_iota(jnp.int32, (E, E), 0)
        < lax.broadcasted_iota(jnp.int32, (E, E), 1), 1.0, 0.0).astype(_F32)
    off = jnp.dot(bl, upper, precision=_HP) * BLK
    slots = off + rank
    c0_ref[...] = jnp.sum(jnp.where(oh1, slots, 0.0), axis=-1,
                          keepdims=True).astype(jnp.int32)
    c1_ref[...] = jnp.sum(jnp.where(oh2, slots, 0.0), axis=-1,
                          keepdims=True).astype(jnp.int32)
    w0_ref[...] = m1
    w1_ref[...] = m2
    cum = off / BLK + bl
    gi = lax.broadcasted_iota(jnp.int32, (NB, E), 0).astype(_F32)
    eid = jnp.sum(jnp.where(cum <= gi, 1.0, 0.0), axis=-1, keepdims=True)
    eid = jnp.minimum(eid, E - 1).astype(jnp.int32)
    nb = jnp.sum(bl, axis=-1, keepdims=True).astype(jnp.int32)
    si_ref[...] = jnp.concatenate([eid, nb], axis=0)


def _expert_body(s_ref, dx_ref, ae_ref, wap_ref, bap_ref, wg1_ref,
                 bg1_ref, wg2_ref, bg2_ref, wf1_ref, bf1_ref, wf2_ref, bf2_ref,
                 lnw_ref, lnb_ref, o_ref):
    g = pl.program_id(0)

    @pl.when(g < s_ref[NB])
    def _():
        x = dx_ref[...]
        wg1 = wg1_ref[0]
        ap = _dott(ae_ref[0], wap_ref[0], _DP) + bap_ref[0]
        c1 = _dott(ap, wg1[:, H:], _DP) + bg1_ref[0]
        a1 = jnp.maximum(_dott(x, wg1[:, :H], _DP) + c1, 0.0)
        gl = _dott(a1, wg2_ref[0], _DP) + bg2_ref[0]
        gate = 1.0 / (1.0 + jnp.exp(-gl))
        h = x * gate + ap * (1.0 - gate)
        a2 = jnp.maximum(_dott(h, wf1_ref[0], _DP) + bf1_ref[0], 0.0)
        y = _dott(a2, wf2_ref[0], _DP) + bf2_ref[0] + x
        mu = jnp.mean(y, axis=-1, keepdims=True)
        yc = y - mu
        var = jnp.mean(yc * yc, axis=-1, keepdims=True)
        o_ref[...] = (yc * lax.rsqrt(var + 1e-5)) * lnw_ref[0] + lnb_ref[0]


def _comb_body(ya_ref, yb_ref, w0_ref, w1_ref, o_ref):
    o_ref[...] = ya_ref[...] * w0_ref[...] + yb_ref[...] * w1_ref[...]


def _sc_dispatch(x2, c0, c1):
    mesh = plsc.VectorSubcoreMesh(core_axis_name="c", subcore_axis_name="s")

    @functools.partial(
        pl.kernel, mesh=mesh,
        out_type=jax.ShapeDtypeStruct((NSLOT, H), _F32),
        scratch_types=[pltpu.VMEM((SC_CH,), jnp.int32),
                       pltpu.VMEM((SC_CH, H), _F32),
                       pltpu.SemaphoreType.DMA],
    )
    def k(x_hbm, i0_hbm, i1_hbm, o_hbm, idx_v, rows_v, sem):
        wid = lax.axis_index("s") * 2 + lax.axis_index("c")
        base = wid * SC_CH
        pltpu.sync_copy(x_hbm.at[pl.ds(base, SC_CH)], rows_v)
        pltpu.sync_copy(i0_hbm.at[pl.ds(base, SC_CH)], idx_v)
        pltpu.async_copy(rows_v, o_hbm.at[idx_v], sem).wait()
        pltpu.sync_copy(i1_hbm.at[pl.ds(base, SC_CH)], idx_v)
        pltpu.async_copy(rows_v, o_hbm.at[idx_v], sem).wait()

    return k(x2, c0, c1)


def _sc_combine(y_buf, c0, c1):
    mesh = plsc.VectorSubcoreMesh(core_axis_name="c", subcore_axis_name="s")

    @functools.partial(
        pl.kernel, mesh=mesh,
        out_type=(jax.ShapeDtypeStruct((S, H), _F32),
                  jax.ShapeDtypeStruct((S, H), _F32)),
        scratch_types=[pltpu.VMEM((SC_CH,), jnp.int32),
                       pltpu.VMEM((SC_CH, H), _F32),
                       pltpu.SemaphoreType.DMA],
    )
    def k(y_hbm, i0_hbm, i1_hbm, oa_hbm, ob_hbm, idx_v, rows_v, sem):
        wid = lax.axis_index("s") * 2 + lax.axis_index("c")
        base = wid * SC_CH
        pltpu.sync_copy(i0_hbm.at[pl.ds(base, SC_CH)], idx_v)
        pltpu.async_copy(y_hbm.at[idx_v], rows_v, sem).wait()
        pltpu.sync_copy(rows_v, oa_hbm.at[pl.ds(base, SC_CH)])
        pltpu.sync_copy(i1_hbm.at[pl.ds(base, SC_CH)], idx_v)
        pltpu.async_copy(y_hbm.at[idx_v], rows_v, sem).wait()
        pltpu.sync_copy(rows_v, ob_hbm.at[pl.ds(base, SC_CH)])

    return k(y_buf, c0, c1)


def kernel(x, task_embeddings, r_attr_proj, r_Win, r_bin, r_Wint, r_bint,
           r_Wr, r_br, e_attr_emb, e_Wap, e_bap, e_Wg1, e_bg1, e_Wg2, e_bg2,
           e_Wf1, e_bf1, e_Wf2, e_bf2, e_ln_w, e_ln_b):
    x2 = x.reshape(S, H)
    te2 = task_embeddings.reshape(S, AD)

    full = lambda shape: pl.BlockSpec(shape, lambda i: (0,) * len(shape))
    probs = pl.pallas_call(
        _r1_body,
        grid=(RN,),
        in_specs=[
            pl.BlockSpec((RBLK, H), lambda i: (i, 0)),
            pl.BlockSpec((RBLK, AD), lambda i: (i, 0)),
            full((4 * H, H + AD)), full((1, 4 * H)),
            full((H, 4 * H)), full((1, H)), full((E, H)), full((1, E)),
            full((TD, E)),
        ],
        out_specs=pl.BlockSpec((RBLK, E), lambda i: (i, 0)),
        out_shape=jax.ShapeDtypeStruct((S, E), _F32),
    )(x2, te2, r_Win, r_bin.reshape(1, -1), r_Wint,
      r_bint.reshape(1, -1), r_Wr, r_br.reshape(1, -1), r_attr_proj)

    full1 = lambda shape: pl.BlockSpec(shape, lambda: (0,) * len(shape))
    c0, c1, w0, w1, sinfo, ent = pl.pallas_call(
        _r2_body,
        in_specs=[full1((S, E))],
        out_specs=[full1((S, 1)), full1((S, 1)), full1((S, 1)), full1((S, 1)),
                   full1((NB + 1, 1)), full1((1, 1))],
        out_shape=[jax.ShapeDtypeStruct((S, 1), jnp.int32),
                   jax.ShapeDtypeStruct((S, 1), jnp.int32),
                   jax.ShapeDtypeStruct((S, 1), _F32),
                   jax.ShapeDtypeStruct((S, 1), _F32),
                   jax.ShapeDtypeStruct((NB + 1, 1), jnp.int32),
                   jax.ShapeDtypeStruct((1, 1), _F32)],
    )(probs)
    c0f = c0.reshape(S)
    c1f = c1.reshape(S)

    dispatch_x = _sc_dispatch(x2, c0f, c1f)

    expert_grid = pltpu.PrefetchScalarGridSpec(
        num_scalar_prefetch=1,
        grid=(NB,),
        in_specs=[
            pl.BlockSpec((BLK, H), lambda g, s: (g, 0)),
            pl.BlockSpec((1, 1, AD), lambda g, s: (s[g], 0, 0)),
            pl.BlockSpec((1, H, AD), lambda g, s: (s[g], 0, 0)),
            pl.BlockSpec((1, 1, H), lambda g, s: (s[g], 0, 0)),
            pl.BlockSpec((1, I, 2 * H), lambda g, s: (s[g], 0, 0)),
            pl.BlockSpec((1, 1, I), lambda g, s: (s[g], 0, 0)),
            pl.BlockSpec((1, H, I), lambda g, s: (s[g], 0, 0)),
            pl.BlockSpec((1, 1, H), lambda g, s: (s[g], 0, 0)),
            pl.BlockSpec((1, I, H), lambda g, s: (s[g], 0, 0)),
            pl.BlockSpec((1, 1, I), lambda g, s: (s[g], 0, 0)),
            pl.BlockSpec((1, H, I), lambda g, s: (s[g], 0, 0)),
            pl.BlockSpec((1, 1, H), lambda g, s: (s[g], 0, 0)),
            pl.BlockSpec((1, 1, H), lambda g, s: (s[g], 0, 0)),
            pl.BlockSpec((1, 1, H), lambda g, s: (s[g], 0, 0)),
        ],
        out_specs=pl.BlockSpec((BLK, H), lambda g, s: (g, 0)),
    )
    y_buf = pl.pallas_call(
        _expert_body,
        grid_spec=expert_grid,
        out_shape=jax.ShapeDtypeStruct((NSLOT, H), _F32),
    )(sinfo.reshape(NB + 1), dispatch_x,
      e_attr_emb.reshape(E, 1, AD), e_Wap, e_bap.reshape(E, 1, H),
      e_Wg1, e_bg1.reshape(E, 1, I), e_Wg2, e_bg2.reshape(E, 1, H),
      e_Wf1, e_bf1.reshape(E, 1, I), e_Wf2, e_bf2.reshape(E, 1, H),
      e_ln_w.reshape(E, 1, H), e_ln_b.reshape(E, 1, H))

    ya, yb = _sc_combine(y_buf, c0f, c1f)
    final = pl.pallas_call(
        _comb_body,
        grid=(S // RBLK,),
        in_specs=[pl.BlockSpec((RBLK, H), lambda i: (i, 0)),
                  pl.BlockSpec((RBLK, H), lambda i: (i, 0)),
                  pl.BlockSpec((RBLK, 1), lambda i: (i, 0)),
                  pl.BlockSpec((RBLK, 1), lambda i: (i, 0))],
        out_specs=pl.BlockSpec((RBLK, H), lambda i: (i, 0)),
        out_shape=jax.ShapeDtypeStruct((S, H), _F32),
    )(ya, yb, w0, w1)

    return final.reshape(1, S, H), ent[0, 0]

# --- scband reference (transcript-rebuilt; emitter-appended) ---
"""Pipeline reference for scband-transformer-18408229831105 (READ-ONLY COPY).

The authoritative reference and input builder live on the scoring server;
editing this copy changes nothing except your own understanding.
"""

import jax, jax.numpy as jnp
import numpy as np

H = 768
E = 8
T = 2
TD = 32
K = 2
I = 628
AD = T * TD
B = 1
S = 2048


def setup_inputs(seed: int = 0) -> dict:
    key = jax.random.key(seed)
    ks = jax.random.split(key, 16)
    s = 0.02
    inp = {}
    inp["x"] = jax.random.normal(ks[0], (B, S, H), dtype=jnp.float32)
    inp["task_embeddings"] = jax.random.normal(ks[1], (B, S, T, TD), dtype=jnp.float32)
    # TaskAwareRouter params
    inp["r_attr_proj"] = jax.random.normal(ks[2], (TD, E), dtype=jnp.float32)
    inp["r_Win"] = jax.random.normal(ks[3], (4 * H, H + AD), dtype=jnp.float32) * s
    inp["r_bin"] = jnp.zeros((4 * H,), dtype=jnp.float32)
    inp["r_Wint"] = jax.random.normal(ks[4], (H, 4 * H), dtype=jnp.float32) * s
    inp["r_bint"] = jnp.zeros((H,), dtype=jnp.float32)
    inp["r_Wr"] = jax.random.normal(ks[5], (E, H), dtype=jnp.float32) * s
    inp["r_br"] = jnp.zeros((E,), dtype=jnp.float32)
    # MoAExpert params, stacked over experts
    inp["e_attr_emb"] = jax.random.normal(ks[6], (E, AD), dtype=jnp.float32)
    inp["e_Wap"] = jax.random.normal(ks[7], (E, H, AD), dtype=jnp.float32) * s
    inp["e_bap"] = jnp.zeros((E, H), dtype=jnp.float32)
    inp["e_Wg1"] = jax.random.normal(ks[8], (E, I, 2 * H), dtype=jnp.float32) * s
    inp["e_bg1"] = jnp.zeros((E, I), dtype=jnp.float32)
    inp["e_Wg2"] = jax.random.normal(ks[9], (E, H, I), dtype=jnp.float32) * s
    inp["e_bg2"] = jnp.zeros((E, H), dtype=jnp.float32)
    inp["e_Wf1"] = jax.random.normal(ks[10], (E, I, H), dtype=jnp.float32) * s
    inp["e_bf1"] = jnp.zeros((E, I), dtype=jnp.float32)
    inp["e_Wf2"] = jax.random.normal(ks[11], (E, H, I), dtype=jnp.float32) * s
    inp["e_bf2"] = jnp.zeros((E, H), dtype=jnp.float32)
    inp["e_ln_w"] = jnp.ones((E, H), dtype=jnp.float32)
    inp["e_ln_b"] = jnp.zeros((E, H), dtype=jnp.float32)
    return inp


def _expert(x, ae, Wap, bap, Wg1, bg1, Wg2, bg2, Wf1, bf1, Wf2, bf2, lw, lb):
    residual = x
    b, s, _ = x.shape
    attr = jnp.broadcast_to(ae[None, None, :], (b, s, ae.shape[0]))
    ap = attr @ Wap.T + bap
    gi = jnp.concatenate([x, ap], axis=-1)
    g = jax.nn.sigmoid(jax.nn.relu(gi @ Wg1.T + bg1) @ Wg2.T + bg2)
    h = x * g + ap * (1.0 - g)
    h = jax.nn.relu(h @ Wf1.T + bf1) @ Wf2.T + bf2
    y = h + residual
    mu = y.mean(-1, keepdims=True)
    var = y.var(-1, keepdims=True)
    y = (y - mu) / jnp.sqrt(var + 1e-5)
    return y * lw + lb


def reference(x, task_embeddings, r_attr_proj, r_Win, r_bin, r_Wint, r_bint, r_Wr, r_br,
              e_attr_emb, e_Wap, e_bap, e_Wg1, e_bg1, e_Wg2, e_bg2, e_Wf1, e_bf1,
              e_Wf2, e_bf2, e_ln_w, e_ln_b):
    b, s, _ = x.shape
    te_flat = task_embeddings.reshape(b, s, -1)
    # TaskAwareRouter
    iv = jnp.concatenate([x, te_flat], axis=-1)
    iv = jax.nn.relu(iv @ r_Win.T + r_bin)
    iv = jax.nn.relu(iv @ r_Wint.T + r_bint)
    expert_probs = jax.nn.softmax(iv @ r_Wr.T + r_br, axis=-1)  # [B,S,E]
    attr_scores = task_embeddings @ r_attr_proj  # [B,S,T,E]
    attr_probs = jax.nn.softmax(attr_scores, axis=-1).mean(axis=2)  # [B,S,E]
    expert_probs = expert_probs * attr_probs
    _, topk_idx = jax.lax.top_k(expert_probs, K)
    mask = jax.nn.one_hot(topk_idx, E, dtype=expert_probs.dtype).sum(axis=-2)  # scatter 1.0 at top-k
    expert_probs = expert_probs * mask
    entropy_loss = -jnp.mean(jnp.sum(expert_probs * jnp.log(expert_probs + 1e-8), axis=-1))
    # experts (all computed, matching torch behavior when every expert receives tokens)
    eo = jax.vmap(lambda ae, Wap, bap, Wg1, bg1, Wg2, bg2, Wf1, bf1, Wf2, bf2, lw, lb:
                  _expert(x, ae, Wap, bap, Wg1, bg1, Wg2, bg2, Wf1, bf1, Wf2, bf2, lw, lb))(
        e_attr_emb, e_Wap, e_bap, e_Wg1, e_bg1, e_Wg2, e_bg2, e_Wf1, e_bf1, e_Wf2, e_bf2, e_ln_w, e_ln_b)
    # eo: [E,B,S,H]; torch: probs.transpose(1,2).unsqueeze(-1) -> [B,E,S,1]; outputs.transpose(0,1) -> [B,E,S,H]
    w = jnp.transpose(expert_probs, (0, 2, 1))[..., None]
    eo_b = jnp.transpose(eo, (1, 0, 2, 3))
    final_output = jnp.sum(w * eo_b, axis=1)
    return (final_output, entropy_loss)

if __name__ == "__main__":
    import jax
    _d = setup_inputs()
    print(jax.jit(kernel)(*tuple(_d.values())))

</pallas_src>

<mosaic_0001>
#map = affine_map<(d0, d1) -> (0, 0)>
#map1 = affine_map<(d0, d1) -> (0)>
module attributes {stable_mosaic.version = 14 : i64} {
  func.func @k(%arg0: i32, %arg1: i32, %arg2: memref<2048x768xf32, #tpu.memory_space<hbm>>, %arg3: memref<2048xi32, #tpu.memory_space<hbm>>, %arg4: memref<2048xi32, #tpu.memory_space<hbm>>, %arg5: memref<8192x768xf32, #tpu.memory_space<hbm>>, %arg6: memref<64xi32, #tpu.memory_space<vmem>>, %arg7: memref<64x768xf32, #tpu.memory_space<vmem>>, %arg8: memref<!tpu.dma_semaphore, #tpu.memory_space<semaphore_mem>>) attributes {dimension_semantics = [#tpu.dimension_semantics<core_parallel>, #tpu.dimension_semantics<subcore_parallel>], iteration_bounds = array<i64: 2, 16>, scalar_prefetch = 0 : i64, scratch_operands = 3 : i64, tpu.core_type = #tpu.core_type<sc_vector_subcore>, window_params = [{transform_indices = #map}, {transform_indices = #map1}, {transform_indices = #map1}, {transform_indices = #map}]} {
    %mul3A = arith.constant 2 : i32
    %mul3A_0 = arith.muli %arg1, %mul3A : i32
    %add3A = arith.addi %mul3A_0, %arg0 : i32
    %mul3A_1 = arith.constant 64 : i32
    %mul3A_2 = arith.muli %add3A, %mul3A_1 : i32
    "tpu.region"() ({
      %run_scoped3A = tpu.sem_alloc : memref<!tpu.dma_semaphore, #tpu.memory_space<semaphore_mem>>
      %dma_start3A_13 = arith.constant 0 : i32
      %dma_start3A_14 = tpu.memref_slice %arg2[%mul3A_2, %dma_start3A_13] : memref<2048x768xf32, #tpu.memory_space<hbm>> -> memref<64x768xf32, #tpu.memory_space<hbm>>
      %dma_start3A_15 = arith.constant 0 : i32
      %dma_start3A_16 = tpu.memref_slice %arg2[%mul3A_2, %dma_start3A_15] : memref<2048x768xf32, #tpu.memory_space<hbm>> -> memref<64x768xf32, #tpu.memory_space<hbm>>
      tpu.enqueue_dma source(%dma_start3A_16 : memref<64x768xf32, #tpu.memory_space<hbm>>) target(%arg7 : memref<64x768xf32, #tpu.memory_space<vmem>>) target_semaphore(%run_scoped3A : memref<!tpu.dma_semaphore, #tpu.memory_space<semaphore_mem>>)
      %dma_wait3A_17 = arith.constant 0 : i32
      %dma_wait3A_18 = tpu.memref_slice %arg2[%mul3A_2, %dma_wait3A_17] : memref<2048x768xf32, #tpu.memory_space<hbm>> -> memref<64x768xf32, #tpu.memory_space<hbm>>
      %dma_wait3A_19 = arith.constant 0 : i32
      %dma_wait3A_20 = tpu.memref_slice %arg2[%mul3A_2, %dma_wait3A_19] : memref<2048x768xf32, #tpu.memory_space<hbm>> -> memref<64x768xf32, #tpu.memory_space<hbm>>
      tpu.wait_dma2 semaphore(%run_scoped3A : memref<!tpu.dma_semaphore, #tpu.memory_space<semaphore_mem>>) src(%dma_wait3A_20 : memref<64x768xf32, #tpu.memory_space<hbm>>) dst(%arg7 : memref<64x768xf32, #tpu.memory_space<vmem>>)
      tpu.yield
    }) : () -> ()
    "tpu.region"() ({
      %run_scoped3A = tpu.sem_alloc : memref<!tpu.dma_semaphore, #tpu.memory_space<semaphore_mem>>
      %dma_start3A_13 = tpu.memref_slice %arg3[%mul3A_2] : memref<2048xi32, #tpu.memory_space<hbm>> -> memref<64xi32, #tpu.memory_space<hbm>>
      %dma_start3A_14 = tpu.memref_slice %arg3[%mul3A_2] : memref<2048xi32, #tpu.memory_space<hbm>> -> memref<64xi32, #tpu.memory_space<hbm>>
      tpu.enqueue_dma source(%dma_start3A_14 : memref<64xi32, #tpu.memory_space<hbm>>) target(%arg6 : memref<64xi32, #tpu.memory_space<vmem>>) target_semaphore(%run_scoped3A : memref<!tpu.dma_semaphore, #tpu.memory_space<semaphore_mem>>)
      %dma_wait3A_15 = tpu.memref_slice %arg3[%mul3A_2] : memref<2048xi32, #tpu.memory_space<hbm>> -> memref<64xi32, #tpu.memory_space<hbm>>
      %dma_wait3A_16 = tpu.memref_slice %arg3[%mul3A_2] : memref<2048xi32, #tpu.memory_space<hbm>> -> memref<64xi32, #tpu.memory_space<hbm>>
      tpu.wait_dma2 semaphore(%run_scoped3A : memref<!tpu.dma_semaphore, #tpu.memory_space<semaphore_mem>>) src(%dma_wait3A_16 : memref<64xi32, #tpu.memory_space<hbm>>) dst(%arg6 : memref<64xi32, #tpu.memory_space<vmem>>)
      tpu.yield
    }) : () -> ()
    %dma_start3A = arith.constant 0 : i32
    %dma_start3A_3 = arith.constant 0 : i32
    %dma_start3A_4 = tpu.memref_slice %arg5[%dma_start3A, %dma_start3A_3] : memref<8192x768xf32, #tpu.memory_space<hbm>> -> memref<8192x768xf32, #tpu.memory_space<hbm>>
    tpu.enqueue_indirect_dma source(%arg7 : memref<64x768xf32, #tpu.memory_space<vmem>>) target(%dma_start3A_4 : memref<8192x768xf32, #tpu.memory_space<hbm>>) offsets(%arg6 : memref<64xi32, #tpu.memory_space<vmem>>) semaphore(%arg8 : memref<!tpu.dma_semaphore, #tpu.memory_space<semaphore_mem>>)
    %dma_wait3A = arith.constant 0 : i32
    %dma_wait3A_5 = arith.constant 0 : i32
    %dma_wait3A_6 = tpu.memref_slice %arg5[%dma_wait3A, %dma_wait3A_5] : memref<8192x768xf32, #tpu.memory_space<hbm>> -> memref<8192x768xf32, #tpu.memory_space<hbm>>
    tpu.wait_indirect_dma semaphore(%arg8 : memref<!tpu.dma_semaphore, #tpu.memory_space<semaphore_mem>>) src(%arg7 : memref<64x768xf32, #tpu.memory_space<vmem>>) dst(%dma_wait3A_6 : memref<8192x768xf32, #tpu.memory_space<hbm>>)
    "tpu.region"() ({
      %run_scoped3A = tpu.sem_alloc : memref<!tpu.dma_semaphore, #tpu.memory_space<semaphore_mem>>
      %dma_start3A_13 = tpu.memref_slice %arg4[%mul3A_2] : memref<2048xi32, #tpu.memory_space<hbm>> -> memref<64xi32, #tpu.memory_space<hbm>>
      %dma_start3A_14 = tpu.memref_slice %arg4[%mul3A_2] : memref<2048xi32, #tpu.memory_space<hbm>> -> memref<64xi32, #tpu.memory_space<hbm>>
      tpu.enqueue_dma source(%dma_start3A_14 : memref<64xi32, #tpu.memory_space<hbm>>) target(%arg6 : memref<64xi32, #tpu.memory_space<vmem>>) target_semaphore(%run_scoped3A : memref<!tpu.dma_semaphore, #tpu.memory_space<semaphore_mem>>)
      %dma_wait3A_15 = tpu.memref_slice %arg4[%mul3A_2] : memref<2048xi32, #tpu.memory_space<hbm>> -> memref<64xi32, #tpu.memory_space<hbm>>
      %dma_wait3A_16 = tpu.memref_slice %arg4[%mul3A_2] : memref<2048xi32, #tpu.memory_space<hbm>> -> memref<64xi32, #tpu.memory_space<hbm>>
      tpu.wait_dma2 semaphore(%run_scoped3A : memref<!tpu.dma_semaphore, #tpu.memory_space<semaphore_mem>>) src(%dma_wait3A_16 : memref<64xi32, #tpu.memory_space<hbm>>) dst(%arg6 : memref<64xi32, #tpu.memory_space<vmem>>)
      tpu.yield
    }) : () -> ()
    %dma_start3A_7 = arith.constant 0 : i32
    %dma_start3A_8 = arith.constant 0 : i32
    %dma_start3A_9 = tpu.memref_slice %arg5[%dma_start3A_7, %dma_start3A_8] : memref<8192x768xf32, #tpu.memory_space<hbm>> -> memref<8192x768xf32, #tpu.memory_space<hbm>>
    tpu.enqueue_indirect_dma source(%arg7 : memref<64x768xf32, #tpu.memory_space<vmem>>) target(%dma_start3A_9 : memref<8192x768xf32, #tpu.memory_space<hbm>>) offsets(%arg6 : memref<64xi32, #tpu.memory_space<vmem>>) semaphore(%arg8 : memref<!tpu.dma_semaphore, #tpu.memory_space<semaphore_mem>>)
    %dma_wait3A_10 = arith.constant 0 : i32
    %dma_wait3A_11 = arith.constant 0 : i32
    %dma_wait3A_12 = tpu.memref_slice %arg5[%dma_wait3A_10, %dma_wait3A_11] : memref<8192x768xf32, #tpu.memory_space<hbm>> -> memref<8192x768xf32, #tpu.memory_space<hbm>>
    tpu.wait_indirect_dma semaphore(%arg8 : memref<!tpu.dma_semaphore, #tpu.memory_space<semaphore_mem>>) src(%arg7 : memref<64x768xf32, #tpu.memory_space<vmem>>) dst(%dma_wait3A_12 : memref<8192x768xf32, #tpu.memory_space<hbm>>)
    return
  }
}

#map = affine_map<(d0, d1) -> (0, 0)>
#map1 = affine_map<(d0, d1) -> (0)>
module attributes {stable_mosaic.version = 14 : i64} {
  func.func @k(%arg0: i32, %arg1: i32, %arg2: memref<8192x768xf32, #tpu.memory_space<hbm>>, %arg3: memref<2048xi32, #tpu.memory_space<hbm>>, %arg4: memref<2048xi32, #tpu.memory_space<hbm>>, %arg5: memref<2048x768xf32, #tpu.memory_space<hbm>>, %arg6: memref<2048x768xf32, #tpu.memory_space<hbm>>, %arg7: memref<64xi32, #tpu.memory_space<vmem>>, %arg8: memref<64x768xf32, #tpu.memory_space<vmem>>, %arg9: memref<!tpu.dma_semaphore, #tpu.memory_space<semaphore_mem>>) attributes {dimension_semantics = [#tpu.dimension_semantics<core_parallel>, #tpu.dimension_semantics<subcore_parallel>], iteration_bounds = array<i64: 2, 16>, scalar_prefetch = 0 : i64, scratch_operands = 3 : i64, tpu.core_type = #tpu.core_type<sc_vector_subcore>, window_params = [{transform_indices = #map}, {transform_indices = #map1}, {transform_indices = #map1}, {transform_indices = #map}, {transform_indices = #map}]} {
    %mul3A = arith.constant 2 : i32
    %mul3A_0 = arith.muli %arg1, %mul3A : i32
    %add3A = arith.addi %mul3A_0, %arg0 : i32
    %mul3A_1 = arith.constant 64 : i32
    %mul3A_2 = arith.muli %add3A, %mul3A_1 : i32
    "tpu.region"() ({
      %run_scoped3A = tpu.sem_alloc : memref<!tpu.dma_semaphore, #tpu.memory_space<semaphore_mem>>
      %dma_start3A_13 = tpu.memref_slice %arg3[%mul3A_2] : memref<2048xi32, #tpu.memory_space<hbm>> -> memref<64xi32, #tpu.memory_space<hbm>>
      %dma_start3A_14 = tpu.memref_slice %arg3[%mul3A_2] : memref<2048xi32, #tpu.memory_space<hbm>> -> memref<64xi32, #tpu.memory_space<hbm>>
      tpu.enqueue_dma source(%dma_start3A_14 : memref<64xi32, #tpu.memory_space<hbm>>) target(%arg7 : memref<64xi32, #tpu.memory_space<vmem>>) target_semaphore(%run_scoped3A : memref<!tpu.dma_semaphore, #tpu.memory_space<semaphore_mem>>)
      %dma_wait3A_15 = tpu.memref_slice %arg3[%mul3A_2] : memref<2048xi32, #tpu.memory_space<hbm>> -> memref<64xi32, #tpu.memory_space<hbm>>
      %dma_wait3A_16 = tpu.memref_slice %arg3[%mul3A_2] : memref<2048xi32, #tpu.memory_space<hbm>> -> memref<64xi32, #tpu.memory_space<hbm>>
      tpu.wait_dma2 semaphore(%run_scoped3A : memref<!tpu.dma_semaphore, #tpu.memory_space<semaphore_mem>>) src(%dma_wait3A_16 : memref<64xi32, #tpu.memory_space<hbm>>) dst(%arg7 : memref<64xi32, #tpu.memory_space<vmem>>)
      tpu.yield
    }) : () -> ()
    %dma_start3A = arith.constant 0 : i32
    %dma_start3A_3 = arith.constant 0 : i32
    %dma_start3A_4 = tpu.memref_slice %arg2[%dma_start3A, %dma_start3A_3] : memref<8192x768xf32, #tpu.memory_space<hbm>> -> memref<8192x768xf32, #tpu.memory_space<hbm>>
    tpu.enqueue_indirect_dma source(%dma_start3A_4 : memref<8192x768xf32, #tpu.memory_space<hbm>>) target(%arg8 : memref<64x768xf32, #tpu.memory_space<vmem>>) offsets(%arg7 : memref<64xi32, #tpu.memory_space<vmem>>) semaphore(%arg9 : memref<!tpu.dma_semaphore, #tpu.memory_space<semaphore_mem>>)
    %dma_wait3A = arith.constant 0 : i32
    %dma_wait3A_5 = arith.constant 0 : i32
    %dma_wait3A_6 = tpu.memref_slice %arg2[%dma_wait3A, %dma_wait3A_5] : memref<8192x768xf32, #tpu.memory_space<hbm>> -> memref<8192x768xf32, #tpu.memory_space<hbm>>
    tpu.wait_indirect_dma semaphore(%arg9 : memref<!tpu.dma_semaphore, #tpu.memory_space<semaphore_mem>>) src(%dma_wait3A_6 : memref<8192x768xf32, #tpu.memory_space<hbm>>) dst(%arg8 : memref<64x768xf32, #tpu.memory_space<vmem>>)
    "tpu.region"() ({
      %run_scoped3A = tpu.sem_alloc : memref<!tpu.dma_semaphore, #tpu.memory_space<semaphore_mem>>
      %dma_start3A_13 = arith.constant 0 : i32
      %dma_start3A_14 = tpu.memref_slice %arg5[%mul3A_2, %dma_start3A_13] : memref<2048x768xf32, #tpu.memory_space<hbm>> -> memref<64x768xf32, #tpu.memory_space<hbm>>
      %dma_start3A_15 = arith.constant 0 : i32
      %dma_start3A_16 = tpu.memref_slice %arg5[%mul3A_2, %dma_start3A_15] : memref<2048x768xf32, #tpu.memory_space<hbm>> -> memref<64x768xf32, #tpu.memory_space<hbm>>
      tpu.enqueue_dma source(%arg8 : memref<64x768xf32, #tpu.memory_space<vmem>>) target(%dma_start3A_16 : memref<64x768xf32, #tpu.memory_space<hbm>>) target_semaphore(%run_scoped3A : memref<!tpu.dma_semaphore, #tpu.memory_space<semaphore_mem>>)
      %dma_wait3A_17 = arith.constant 0 : i32
      %dma_wait3A_18 = tpu.memref_slice %arg5[%mul3A_2, %dma_wait3A_17] : memref<2048x768xf32, #tpu.memory_space<hbm>> -> memref<64x768xf32, #tpu.memory_space<hbm>>
      %dma_wait3A_19 = arith.constant 0 : i32
      %dma_wait3A_20 = tpu.memref_slice %arg5[%mul3A_2, %dma_wait3A_19] : memref<2048x768xf32, #tpu.memory_space<hbm>> -> memref<64x768xf32, #tpu.memory_space<hbm>>
      tpu.wait_dma2 semaphore(%run_scoped3A : memref<!tpu.dma_semaphore, #tpu.memory_space<semaphore_mem>>) src(%arg8 : memref<64x768xf32, #tpu.memory_space<vmem>>) dst(%dma_wait3A_20 : memref<64x768xf32, #tpu.memory_space<hbm>>)
      tpu.yield
    }) : () -> ()
    "tpu.region"() ({
      %run_scoped3A = tpu.sem_alloc : memref<!tpu.dma_semaphore, #tpu.memory_space<semaphore_mem>>
      %dma_start3A_13 = tpu.memref_slice %arg4[%mul3A_2] : memref<2048xi32, #tpu.memory_space<hbm>> -> memref<64xi32, #tpu.memory_space<hbm>>
      %dma_start3A_14 = tpu.memref_slice %arg4[%mul3A_2] : memref<2048xi32, #tpu.memory_space<hbm>> -> memref<64xi32, #tpu.memory_space<hbm>>
      tpu.enqueue_dma source(%dma_start3A_14 : memref<64xi32, #tpu.memory_space<hbm>>) target(%arg7 : memref<64xi32, #tpu.memory_space<vmem>>) target_semaphore(%run_scoped3A : memref<!tpu.dma_semaphore, #tpu.memory_space<semaphore_mem>>)
      %dma_wait3A_15 = tpu.memref_slice %arg4[%mul3A_2] : memref<2048xi32, #tpu.memory_space<hbm>> -> memref<64xi32, #tpu.memory_space<hbm>>
      %dma_wait3A_16 = tpu.memref_slice %arg4[%mul3A_2] : memref<2048xi32, #tpu.memory_space<hbm>> -> memref<64xi32, #tpu.memory_space<hbm>>
      tpu.wait_dma2 semaphore(%run_scoped3A : memref<!tpu.dma_semaphore, #tpu.memory_space<semaphore_mem>>) src(%dma_wait3A_16 : memref<64xi32, #tpu.memory_space<hbm>>) dst(%arg7 : memref<64xi32, #tpu.memory_space<vmem>>)
      tpu.yield
    }) : () -> ()
    %dma_start3A_7 = arith.constant 0 : i32
    %dma_start3A_8 = arith.constant 0 : i32
    %dma_start3A_9 = tpu.memref_slice %arg2[%dma_start3A_7, %dma_start3A_8] : memref<8192x768xf32, #tpu.memory_space<hbm>> -> memref<8192x768xf32, #tpu.memory_space<hbm>>
    tpu.enqueue_indirect_dma source(%dma_start3A_9 : memref<8192x768xf32, #tpu.memory_space<hbm>>) target(%arg8 : memref<64x768xf32, #tpu.memory_space<vmem>>) offsets(%arg7 : memref<64xi32, #tpu.memory_space<vmem>>) semaphore(%arg9 : memref<!tpu.dma_semaphore, #tpu.memory_space<semaphore_mem>>)
    %dma_wait3A_10 = arith.constant 0 : i32
    %dma_wait3A_11 = arith.constant 0 : i32
    %dma_wait3A_12 = tpu.memref_slice %arg2[%dma_wait3A_10, %dma_wait3A_11] : memref<8192x768xf32, #tpu.memory_space<hbm>> -> memref<8192x768xf32, #tpu.memory_space<hbm>>
    tpu.wait_indirect_dma semaphore(%arg9 : memref<!tpu.dma_semaphore, #tpu.memory_space<semaphore_mem>>) src(%dma_wait3A_12 : memref<8192x768xf32, #tpu.memory_space<hbm>>) dst(%arg8 : memref<64x768xf32, #tpu.memory_space<vmem>>)
    "tpu.region"() ({
      %run_scoped3A = tpu.sem_alloc : memref<!tpu.dma_semaphore, #tpu.memory_space<semaphore_mem>>
      %dma_start3A_13 = arith.constant 0 : i32
      %dma_start3A_14 = tpu.memref_slice %arg6[%mul3A_2, %dma_start3A_13] : memref<2048x768xf32, #tpu.memory_space<hbm>> -> memref<64x768xf32, #tpu.memory_space<hbm>>
      %dma_start3A_15 = arith.constant 0 : i32
      %dma_start3A_16 = tpu.memref_slice %arg6[%mul3A_2, %dma_start3A_15] : memref<2048x768xf32, #tpu.memory_space<hbm>> -> memref<64x768xf32, #tpu.memory_space<hbm>>
      tpu.enqueue_dma source(%arg8 : memref<64x768xf32, #tpu.memory_space<vmem>>) target(%dma_start3A_16 : memref<64x768xf32, #tpu.memory_space<hbm>>) target_semaphore(%run_scoped3A : memref<!tpu.dma_semaphore, #tpu.memory_space<semaphore_mem>>)
      %dma_wait3A_17 = arith.constant 0 : i32
      %dma_wait3A_18 = tpu.memref_slice %arg6[%mul3A_2, %dma_wait3A_17] : memref<2048x768xf32, #tpu.memory_space<hbm>> -> memref<64x768xf32, #tpu.memory_space<hbm>>
      %dma_wait3A_19 = arith.constant 0 : i32
      %dma_wait3A_20 = tpu.memref_slice %arg6[%mul3A_2, %dma_wait3A_19] : memref<2048x768xf32, #tpu.memory_space<hbm>> -> memref<64x768xf32, #tpu.memory_space<hbm>>
      tpu.wait_dma2 semaphore(%run_scoped3A : memref<!tpu.dma_semaphore, #tpu.memory_space<semaphore_mem>>) src(%arg8 : memref<64x768xf32, #tpu.memory_space<vmem>>) dst(%dma_wait3A_20 : memref<64x768xf32, #tpu.memory_space<hbm>>)
      tpu.yield
    }) : () -> ()
    return
  }
}

module attributes {stable_mosaic.version = 14 : i64} {
  func.func @_r1_body(%arg0: i32, %arg1: memref<256x768xf32, #tpu.memory_space<vmem>>, %arg2: memref<256x64xf32, #tpu.memory_space<vmem>>, %arg3: memref<3072x832xf32, #tpu.memory_space<vmem>>, %arg4: memref<1x3072xf32, #tpu.memory_space<vmem>>, %arg5: memref<768x3072xf32, #tpu.memory_space<vmem>>, %arg6: memref<1x768xf32, #tpu.memory_space<vmem>>, %arg7: memref<8x768xf32, #tpu.memory_space<vmem>>, %arg8: memref<1x8xf32, #tpu.memory_space<vmem>>, %arg9: memref<32x8xf32, #tpu.memory_space<vmem>>, %arg10: memref<256x8xf32, #tpu.memory_space<vmem>>) attributes {dimension_semantics = [#tpu.dimension_semantics<arbitrary>], iteration_bounds = array<i64: 8>, scalar_prefetch = 0 : i64, scratch_operands = 0 : i64, tpu.core_type = #tpu.core_type<tc>, window_params = [{transform_indices = @transform_0, window_bounds = array<i64: 256, 768>}, {transform_indices = @transform_1, window_bounds = array<i64: 256, 64>}, {pipeline_mode = #tpu.pipeline_mode<synchronous>, transform_indices = @transform_2, window_bounds = array<i64: 3072, 832>}, {pipeline_mode = #tpu.pipeline_mode<synchronous>, transform_indices = @transform_3, window_bounds = array<i64: 1, 3072>}, {pipeline_mode = #tpu.pipeline_mode<synchronous>, transform_indices = @transform_4, window_bounds = array<i64: 768, 3072>}, {pipeline_mode = #tpu.pipeline_mode<synchronous>, transform_indices = @transform_5, window_bounds = array<i64: 1, 768>}, {pipeline_mode = #tpu.pipeline_mode<synchronous>, transform_indices = @transform_6, window_bounds = array<i64: 8, 768>}, {pipeline_mode = #tpu.pipeline_mode<synchronous>, transform_indices = @transform_7, window_bounds = array<i64: 1, 8>}, {pipeline_mode = #tpu.pipeline_mode<synchronous>, transform_indices = @transform_8, window_bounds = array<i64: 32, 8>}, {transform_indices = @transform_9, window_bounds = array<i64: 256, 8>}]} {
    %get3A = arith.constant 0 : index
    %get3A_0 = arith.constant 0 : index
    %get3A_1 = vector.load %arg1[%get3A, %get3A_0] : memref<256x768xf32, #tpu.memory_space<vmem>>, vector<256x768xf32>
    %get3A_2 = arith.constant 0 : index
    %get3A_3 = arith.constant 0 : index
    %get3A_4 = vector.load %arg2[%get3A_2, %get3A_3] : memref<256x64xf32, #tpu.memory_space<vmem>>, vector<256x64xf32>
    %get3A_5 = arith.constant 0 : index
    %get3A_6 = arith.constant 0 : index
    %get3A_7 = vector.load %arg3[%get3A_5, %get3A_6] : memref<3072x832xf32, #tpu.memory_space<vmem>>, vector<3072x832xf32>
    %slice3A = vector.extract_strided_slice %get3A_7 {offsets = [0, 0], sizes = [3072, 768], strides = [1, 1]} : vector<3072x832xf32> to vector<3072x768xf32>
    %dot_general3A = arith.constant dense<0.000000e+00> : vector<256x3072xf32>
    %dot_general3A_8 = tpu.matmul %get3A_1, %slice3A, %dot_general3A {dimension_numbers = #tpu.dot_dimension_numbers<[1], [1], [0], [0], [0, 0, 1, 0], [], []>, precision = #tpu.contract_precision<fp32>, transpose_lhs_hint = false} : vector<256x768xf32>, vector<3072x768xf32>, vector<256x3072xf32> -> vector<256x3072xf32>
    %slice3A_9 = vector.extract_strided_slice %get3A_7 {offsets = [0, 768], sizes = [3072, 64], strides = [1, 1]} : vector<3072x832xf32> to vector<3072x64xf32>
    %dot_general3A_10 = arith.constant dense<0.000000e+00> : vector<256x3072xf32>
    %dot_general3A_11 = tpu.matmul %get3A_4, %slice3A_9, %dot_general3A_10 {dimension_numbers = #tpu.dot_dimension_numbers<[1], [1], [0], [0], [0, 0, 1, 0], [], []>, precision = #tpu.contract_precision<fp32>, transpose_lhs_hint = false} : vector<256x64xf32>, vector<3072x64xf32>, vector<256x3072xf32> -> vector<256x3072xf32>
    %add3A = arith.addf %dot_general3A_8, %dot_general3A_11 : vector<256x3072xf32>
    %get3A_12 = arith.constant 0 : index
    %get3A_13 = arith.constant 0 : index
    %get3A_14 = vector.load %arg4[%get3A_12, %get3A_13] : memref<1x3072xf32, #tpu.memory_space<vmem>>, vector<1x3072xf32>
    %add3A_15 = vector.broadcast %get3A_14 : vector<1x3072xf32> to vector<256x3072xf32>
    %add3A_16 = arith.addf %add3A, %add3A_15 : vector<256x3072xf32>
    %max3A = arith.constant 0.000000e+00 : f32
    %max3A_17 = vector.broadcast %max3A : f32 to vector<256x3072xf32>
    %max3A_18 = arith.maximumf %add3A_16, %max3A_17 : vector<256x3072xf32>
    %get3A_19 = arith.constant 0 : index
    %get3A_20 = arith.constant 0 : index
    %get3A_21 = vector.load %arg5[%get3A_19, %get3A_20] : memref<768x3072xf32, #tpu.memory_space<vmem>>, vector<768x3072xf32>
    %dot_general3A_22 = arith.constant dense<0.000000e+00> : vector<256x768xf32>
    %dot_general3A_23 = tpu.matmul %max3A_18, %get3A_21, %dot_general3A_22 {dimension_numbers = #tpu.dot_dimension_numbers<[1], [1], [0], [0], [0, 0, 1, 0], [], []>, precision = #tpu.contract_precision<fp32>, transpose_lhs_hint = false} : vector<256x3072xf32>, vector<768x3072xf32>, vector<256x768xf32> -> vector<256x768xf32>
    %get3A_24 = arith.constant 0 : index
    %get3A_25 = arith.constant 0 : index
    %get3A_26 = vector.load %arg6[%get3A_24, %get3A_25] : memref<1x768xf32, #tpu.memory_space<vmem>>, vector<1x768xf32>
    %add3A_27 = vector.broadcast %get3A_26 : vector<1x768xf32> to vector<256x768xf32>
    %add3A_28 = arith.addf %dot_general3A_23, %add3A_27 : vector<256x768xf32>
    %max3A_29 = arith.constant 0.000000e+00 : f32
    %max3A_30 = vector.broadcast %max3A_29 : f32 to vector<256x768xf32>
    %max3A_31 = arith.maximumf %add3A_28, %max3A_30 : vector<256x768xf32>
    %get3A_32 = arith.constant 0 : index
    %get3A_33 = arith.constant 0 : index
    %get3A_34 = vector.load %arg7[%get3A_32, %get3A_33] : memref<8x768xf32, #tpu.memory_space<vmem>>, vector<8x768xf32>
    %dot_general3A_35 = arith.constant dense<0.000000e+00> : vector<256x8xf32>
    %dot_general3A_36 = tpu.matmul %max3A_31, %get3A_34, %dot_general3A_35 {dimension_numbers = #tpu.dot_dimension_numbers<[1], [1], [0], [0], [0, 0, 1, 0], [], []>, precision = #tpu.contract_precision<fp32>, transpose_lhs_hint = false} : vector<256x768xf32>, vector<8x768xf32>, vector<256x8xf32> -> vector<256x8xf32>
    %get3A_37 = arith.constant 0 : index
    %get3A_38 = arith.constant 0 : index
    %get3A_39 = vector.load %arg8[%get3A_37, %get3A_38] : memref<1x8xf32, #tpu.memory_space<vmem>>, vector<1x8xf32>
    %add3A_40 = vector.broadcast %get3A_39 : vector<1x8xf32> to vector<256x8xf32>
    %add3A_41 = arith.addf %dot_general3A_36, %add3A_40 : vector<256x8xf32>
    %reduce_max3A = arith.constant dense<0xFF800000> : vector<256xf32>
    %reduce_max3A_42 = vector.multi_reduction <maximumf>, %add3A_41, %reduce_max3A [1] : vector<256x8xf32> to vector<256xf32>
    %broadcast_in_dim3A = vector.shape_cast %reduce_max3A_42 : vector<256xf32> to vector<256x1xf32>
    %sub3A = vector.broadcast %broadcast_in_dim3A : vector<256x1xf32> to vector<256x8xf32>
    %sub3A_43 = arith.subf %add3A_41, %sub3A : vector<256x8xf32>
    %exp3A = math.exp %sub3A_43 : vector<256x8xf32>
    %reduce_sum3A = arith.constant dense<0.000000e+00> : vector<256xf32>
    %reduce_sum3A_44 = vector.multi_reduction <add>, %exp3A, %reduce_sum3A [1] : vector<256x8xf32> to vector<256xf32>
    %broadcast_in_dim3A_45 = vector.shape_cast %reduce_sum3A_44 : vector<256xf32> to vector<256x1xf32>
    %div3A = vector.broadcast %broadcast_in_dim3A_45 : vector<256x1xf32> to vector<256x8xf32>
    %div3A_46 = arith.divf %exp3A, %div3A : vector<256x8xf32>
    %slice3A_47 = vector.extract_strided_slice %get3A_4 {offsets = [0, 0], sizes = [256, 32], strides = [1, 1]} : vector<256x64xf32> to vector<256x32xf32>
    %get3A_48 = arith.constant 0 : index
    %get3A_49 = arith.constant 0 : index
    %get3A_50 = vector.load %arg9[%get3A_48, %get3A_49] : memref<32x8xf32, #tpu.memory_space<vmem>>, vector<32x8xf32>
    %dot_general3A_51 = arith.constant dense<0.000000e+00> : vector<256x8xf32>
    %dot_general3A_52 = tpu.matmul %slice3A_47, %get3A_50, %dot_general3A_51 {dimension_numbers = #tpu.dot_dimension_numbers<[1], [0], [0], [1], [0, 0, 1, 1], [], []>, precision = #tpu.contract_precision<fp32>, transpose_lhs_hint = false} : vector<256x32xf32>, vector<32x8xf32>, vector<256x8xf32> -> vector<256x8xf32>
    %reduce_max3A_53 = arith.constant dense<0xFF800000> : vector<256xf32>
    %reduce_max3A_54 = vector.multi_reduction <maximumf>, %dot_general3A_52, %reduce_max3A_53 [1] : vector<256x8xf32> to vector<256xf32>
    %broadcast_in_dim3A_55 = vector.shape_cast %reduce_max3A_54 : vector<256xf32> to vector<256x1xf32>
    %sub3A_56 = vector.broadcast %broadcast_in_dim3A_55 : vector<256x1xf32> to vector<256x8xf32>
    %sub3A_57 = arith.subf %dot_general3A_52, %sub3A_56 : vector<256x8xf32>
    %exp3A_58 = math.exp %sub3A_57 : vector<256x8xf32>
    %reduce_sum3A_59 = arith.constant dense<0.000000e+00> : vector<256xf32>
    %reduce_sum3A_60 = vector.multi_reduction <add>, %exp3A_58, %reduce_sum3A_59 [1] : vector<256x8xf32> to vector<256xf32>
    %broadcast_in_dim3A_61 = vector.shape_cast %reduce_sum3A_60 : vector<256xf32> to vector<256x1xf32>
    %div3A_62 = vector.broadcast %broadcast_in_dim3A_61 : vector<256x1xf32> to vector<256x8xf32>
    %div3A_63 = arith.divf %exp3A_58, %div3A_62 : vector<256x8xf32>
    %slice3A_64 = vector.extract_strided_slice %get3A_4 {offsets = [0, 32], sizes = [256, 32], strides = [1, 1]} : vector<256x64xf32> to vector<256x32xf32>
    %get3A_65 = arith.constant 0 : index
    %get3A_66 = arith.constant 0 : index
    %get3A_67 = vector.load %arg9[%get3A_65, %get3A_66] : memref<32x8xf32, #tpu.memory_space<vmem>>, vector<32x8xf32>
    %dot_general3A_68 = arith.constant dense<0.000000e+00> : vector<256x8xf32>
    %dot_general3A_69 = tpu.matmul %slice3A_64, %get3A_67, %dot_general3A_68 {dimension_numbers = #tpu.dot_dimension_numbers<[1], [0], [0], [1], [0, 0, 1, 1], [], []>, precision = #tpu.contract_precision<fp32>, transpose_lhs_hint = false} : vector<256x32xf32>, vector<32x8xf32>, vector<256x8xf32> -> vector<256x8xf32>
    %reduce_max3A_70 = arith.constant dense<0xFF800000> : vector<256xf32>
    %reduce_max3A_71 = vector.multi_reduction <maximumf>, %dot_general3A_69, %reduce_max3A_70 [1] : vector<256x8xf32> to vector<256xf32>
    %broadcast_in_dim3A_72 = vector.shape_cast %reduce_max3A_71 : vector<256xf32> to vector<256x1xf32>
    %sub3A_73 = vector.broadcast %broadcast_in_dim3A_72 : vector<256x1xf32> to vector<256x8xf32>
    %sub3A_74 = arith.subf %dot_general3A_69, %sub3A_73 : vector<256x8xf32>
    %exp3A_75 = math.exp %sub3A_74 : vector<256x8xf32>
    %reduce_sum3A_76 = arith.constant dense<0.000000e+00> : vector<256xf32>
    %reduce_sum3A_77 = vector.multi_reduction <add>, %exp3A_75, %reduce_sum3A_76 [1] : vector<256x8xf32> to vector<256xf32>
    %broadcast_in_dim3A_78 = vector.shape_cast %reduce_sum3A_77 : vector<256xf32> to vector<256x1xf32>
    %div3A_79 = vector.broadcast %broadcast_in_dim3A_78 : vector<256x1xf32> to vector<256x8xf32>
    %div3A_80 = arith.divf %exp3A_75, %div3A_79 : vector<256x8xf32>
    %add3A_81 = arith.addf %div3A_63, %div3A_80 : vector<256x8xf32>
    %mul3A = arith.constant 5.000000e-01 : f32
    %mul3A_82 = vector.broadcast %mul3A : f32 to vector<256x8xf32>
    %mul3A_83 = arith.mulf %mul3A_82, %add3A_81 : vector<256x8xf32>
    %mul3A_84 = arith.mulf %div3A_46, %mul3A_83 : vector<256x8xf32>
    %swap3A = arith.constant 0 : index
    %swap3A_85 = arith.constant 0 : index
    %swap3A_86 = vector.load %arg10[%swap3A, %swap3A_85] : memref<256x8xf32, #tpu.memory_space<vmem>>, vector<256x8xf32>
    tpu.vector_store %arg10[%swap3A, %swap3A_85], %mul3A_84 {strides = array<i32>} : memref<256x8xf32, #tpu.memory_space<vmem>>, vector<256x8xf32>,
    return
  }
  func.func @transform_0(%arg0: i32) -> (i32, i32) {
    %c0_i32 = arith.constant 0 : i32
    %c0_i32_0 = arith.constant 0 : i32
    return %arg0, %c0_i32 : i32, i32
  }
  func.func @transform_1(%arg0: i32) -> (i32, i32) {
    %c0_i32 = arith.constant 0 : i32
    %c0_i32_0 = arith.constant 0 : i32
    return %arg0, %c0_i32 : i32, i32
  }
  func.func @transform_2(%arg0: i32) -> (i32, i32) {
    %c0_i32 = arith.constant 0 : i32
    %c0_i32_0 = arith.constant 0 : i32
    %c0_i32_1 = arith.constant 0 : i32
    return %c0_i32, %c0_i32_0 : i32, i32
  }
  func.func @transform_3(%arg0: i32) -> (i32, i32) {
    %c0_i32 = arith.constant 0 : i32
    %c0_i32_0 = arith.constant 0 : i32
    %c0_i32_1 = arith.constant 0 : i32
    return %c0_i32, %c0_i32_0 : i32, i32
  }
  func.func @transform_4(%arg0: i32) -> (i32, i32) {
    %c0_i32 = arith.constant 0 : i32
    %c0_i32_0 = arith.constant 0 : i32
    %c0_i32_1 = arith.constant 0 : i32
    return %c0_i32, %c0_i32_0 : i32, i32
  }
  func.func @transform_5(%arg0: i32) -> (i32, i32) {
    %c0_i32 = arith.constant 0 : i32
    %c0_i32_0 = arith.constant 0 : i32
    %c0_i32_1 = arith.constant 0 : i32
    return %c0_i32, %c0_i32_0 : i32, i32
  }
  func.func @transform_6(%arg0: i32) -> (i32, i32) {
    %c0_i32 = arith.constant 0 : i32
    %c0_i32_0 = arith.constant 0 : i32
    %c0_i32_1 = arith.constant 0 : i32
    return %c0_i32, %c0_i32_0 : i32, i32
  }
  func.func @transform_7(%arg0: i32) -> (i32, i32) {
    %c0_i32 = arith.constant 0 : i32
    %c0_i32_0 = arith.constant 0 : i32
    %c0_i32_1 = arith.constant 0 : i32
    return %c0_i32, %c0_i32_0 : i32, i32
  }
  func.func @transform_8(%arg0: i32) -> (i32, i32) {
    %c0_i32 = arith.constant 0 : i32
    %c0_i32_0 = arith.constant 0 : i32
    %c0_i32_1 = arith.constant 0 : i32
    return %c0_i32, %c0_i32_0 : i32, i32
  }
  func.func @transform_9(%arg0: i32) -> (i32, i32) {
    %c0_i32 = arith.constant 0 : i32
    %c0_i32_0 = arith.constant 0 : i32
    return %arg0, %c0_i32 : i32, i32
  }
}

module attributes {stable_mosaic.version = 14 : i64} {
  func.func @_r2_body(%arg0: memref<2048x8xf32, #tpu.memory_space<vmem>>, %arg1: memref<2048x1xi32, #tpu.memory_space<vmem>>, %arg2: memref<2048x1xi32, #tpu.memory_space<vmem>>, %arg3: memref<2048x1xf32, #tpu.memory_space<vmem>>, %arg4: memref<2048x1xf32, #tpu.memory_space<vmem>>, %arg5: memref<17x1xi32, #tpu.memory_space<vmem>>, %arg6: memref<1x1xf32, #tpu.memory_space<vmem>>) attributes {dimension_semantics = [], scalar_prefetch = 0 : i64, scratch_operands = 0 : i64, tpu.core_type = #tpu.core_type<tc>} {
    %get3A = arith.constant 0 : index
    %get3A_0 = arith.constant 0 : index
    %get3A_1 = vector.load %arg0[%get3A, %get3A_0] : memref<2048x8xf32, #tpu.memory_space<vmem>>, vector<2048x8xf32>
    %iota3A = tpu.iota {dimensions = array<i32: 1>} : vector<2048x8xi32>
    %reduce_max3A = arith.constant dense<0xFF800000> : vector<2048xf32>
    %reduce_max3A_2 = vector.multi_reduction <maximumf>, %get3A_1, %reduce_max3A [1] : vector<2048x8xf32> to vector<2048xf32>
    %broadcast_in_dim3A = vector.shape_cast %reduce_max3A_2 : vector<2048xf32> to vector<2048x1xf32>
    %ge3A = vector.broadcast %broadcast_in_dim3A : vector<2048x1xf32> to vector<2048x8xf32>
    %ge3A_3 = arith.cmpf oge, %get3A_1, %ge3A : vector<2048x8xf32>
    %jit3A = arith.constant 8 : i32
    %broadcast_in_dim3A_4 = vector.broadcast %jit3A : i32 to vector<2048x8xi32>
    %select_n3A = arith.select %ge3A_3, %iota3A, %broadcast_in_dim3A_4 : vector<2048x8xi1>, vector<2048x8xi32>
    %reduce_min3A = arith.constant dense<2147483647> : vector<2048xi32>
    %reduce_min3A_5 = vector.multi_reduction <minsi>, %select_n3A, %reduce_min3A [1] : vector<2048x8xi32> to vector<2048xi32>
    %broadcast_in_dim3A_6 = vector.shape_cast %reduce_min3A_5 : vector<2048xi32> to vector<2048x1xi32>
    %eq3A = vector.broadcast %broadcast_in_dim3A_6 : vector<2048x1xi32> to vector<2048x8xi32>
    %eq3A_7 = arith.cmpi eq, %iota3A, %eq3A : vector<2048x8xi32>
    %jit3A_8 = arith.constant 0xFF800000 : f32
    %broadcast_in_dim3A_9 = vector.broadcast %jit3A_8 : f32 to vector<2048x8xf32>
    %select_n3A_10 = arith.select %eq3A_7, %broadcast_in_dim3A_9, %get3A_1 : vector<2048x8xi1>, vector<2048x8xf32>
    %reduce_max3A_11 = arith.constant dense<0xFF800000> : vector<2048xf32>
    %reduce_max3A_12 = vector.multi_reduction <maximumf>, %select_n3A_10, %reduce_max3A_11 [1] : vector<2048x8xf32> to vector<2048xf32>
    %broadcast_in_dim3A_13 = vector.shape_cast %reduce_max3A_12 : vector<2048xf32> to vector<2048x1xf32>
    %ge3A_14 = vector.broadcast %broadcast_in_dim3A_13 : vector<2048x1xf32> to vector<2048x8xf32>
    %ge3A_15 = arith.cmpf oge, %select_n3A_10, %ge3A_14 : vector<2048x8xf32>
    %jit3A_16 = arith.constant 8 : i32
    %broadcast_in_dim3A_17 = vector.broadcast %jit3A_16 : i32 to vector<2048x8xi32>
    %select_n3A_18 = arith.select %ge3A_15, %iota3A, %broadcast_in_dim3A_17 : vector<2048x8xi1>, vector<2048x8xi32>
    %reduce_min3A_19 = arith.constant dense<2147483647> : vector<2048xi32>
    %reduce_min3A_20 = vector.multi_reduction <minsi>, %select_n3A_18, %reduce_min3A_19 [1] : vector<2048x8xi32> to vector<2048xi32>
    %broadcast_in_dim3A_21 = vector.shape_cast %reduce_min3A_20 : vector<2048xi32> to vector<2048x1xi32>
    %eq3A_22 = vector.broadcast %broadcast_in_dim3A_6 : vector<2048x1xi32> to vector<2048x8xi32>
    %eq3A_23 = arith.cmpi eq, %iota3A, %eq3A_22 : vector<2048x8xi32>
    %eq3A_24 = vector.broadcast %broadcast_in_dim3A_21 : vector<2048x1xi32> to vector<2048x8xi32>
    %eq3A_25 = arith.cmpi eq, %iota3A, %eq3A_24 : vector<2048x8xi32>
    %or3A = arith.ori %eq3A_23, %eq3A_25 : vector<2048x8xi1>
    %jit3A_26 = arith.constant 1.000000e+00 : f32
    %jit3A_27 = arith.constant 0.000000e+00 : f32
    %broadcast_in_dim3A_28 = vector.broadcast %jit3A_26 : f32 to vector<2048x8xf32>
    %broadcast_in_dim3A_29 = vector.broadcast %jit3A_27 : f32 to vector<2048x8xf32>
    %select_n3A_30 = arith.select %or3A, %broadcast_in_dim3A_28, %broadcast_in_dim3A_29 : vector<2048x8xi1>, vector<2048x8xf32>
    %mul3A = arith.mulf %get3A_1, %select_n3A_30 : vector<2048x8xf32>
    %add3A = arith.constant 9.99999993E-9 : f32
    %add3A_31 = vector.broadcast %add3A : f32 to vector<2048x8xf32>
    %add3A_32 = arith.addf %mul3A, %add3A_31 : vector<2048x8xf32>
    %log3A = math.log %add3A_32 : vector<2048x8xf32>
    %mul3A_33 = arith.mulf %mul3A, %log3A : vector<2048x8xf32>
    %reduce_sum3A = vector.shape_cast %mul3A_33 : vector<2048x8xf32> to vector<1x2048x8xf32>
    %reduce_sum3A_34 = arith.constant dense<0.000000e+00> : vector<1xf32>
    %reduce_sum3A_35 = vector.multi_reduction <add>, %reduce_sum3A, %reduce_sum3A_34 [1, 2] : vector<1x2048x8xf32> to vector<1xf32>
    %reduce_sum3A_36 = vector.shape_cast %reduce_sum3A_35 : vector<1xf32> to vector<1x1x1xf32>
    %reduce_sum3A_37 = vector.extract %reduce_sum3A_36[0, 0, 0] : f32 from vector<1x1x1xf32>
    %broadcast_in_dim3A_38 = vector.broadcast %reduce_sum3A_37 : f32 to vector<1x1xf32>
    %neg3A = arith.constant 0.000000e+00 : f32
    %neg3A_39 = vector.broadcast %neg3A : f32 to vector<1x1xf32>
    %neg3A_40 = arith.subf %neg3A_39, %broadcast_in_dim3A_38 : vector<1x1xf32>
    %div3A = arith.constant 2.048000e+03 : f32
    %div3A_41 = vector.broadcast %div3A : f32 to vector<1x1xf32>
    %div3A_42 = arith.divf %neg3A_40, %div3A_41 : vector<1x1xf32>
    %swap3A = arith.constant 0 : index
    %swap3A_43 = arith.constant 0 : index
    %swap3A_44 = vector.load %arg6[%swap3A, %swap3A_43] : memref<1x1xf32, #tpu.memory_space<vmem>>, vector<1x1xf32>
    tpu.vector_store %arg6[%swap3A, %swap3A_43], %div3A_42 {strides = array<i32>} : memref<1x1xf32, #tpu.memory_space<vmem>>, vector<1x1xf32>,
    %iota3A_45 = tpu.iota {dimensions = array<i32: 0>} : vector<2048x2048xi32>
    %iota3A_46 = tpu.iota {dimensions = array<i32: 1>} : vector<2048x2048xi32>
    %ge3A_47 = arith.cmpi sge, %iota3A_45, %iota3A_46 : vector<2048x2048xi32>
    %jit3A_48 = arith.constant 1.000000e+00 : f32
    %jit3A_49 = arith.constant 0.000000e+00 : f32
    %broadcast_in_dim3A_50 = vector.broadcast %jit3A_48 : f32 to vector<2048x2048xf32>
    %broadcast_in_dim3A_51 = vector.broadcast %jit3A_49 : f32 to vector<2048x2048xf32>
    %select_n3A_52 = arith.select %ge3A_47, %broadcast_in_dim3A_50, %broadcast_in_dim3A_51 : vector<2048x2048xi1>, vector<2048x2048xf32>
    %convert_element_type3A = arith.truncf %select_n3A_52 : vector<2048x2048xf32> to vector<2048x2048xbf16>
    %convert_element_type3A_53 = arith.truncf %select_n3A_30 : vector<2048x8xf32> to vector<2048x8xbf16>
    %dot_general3A = arith.constant dense<0.000000e+00> : vector<2048x8xf32>
    %dot_general3A_54 = tpu.matmul %convert_element_type3A, %convert_element_type3A_53, %dot_general3A {dimension_numbers = #tpu.dot_dimension_numbers<[1], [0], [0], [1], [0, 0, 1, 1], [], []>, transpose_lhs_hint = false} : vector<2048x2048xbf16>, vector<2048x8xbf16>, vector<2048x8xf32> -> vector<2048x8xf32>
    %sub3A = arith.constant 1.000000e+00 : f32
    %sub3A_55 = vector.broadcast %sub3A : f32 to vector<2048x8xf32>
    %sub3A_56 = arith.subf %dot_general3A_54, %sub3A_55 : vector<2048x8xf32>
    %slice3A = vector.extract_strided_slice %sub3A_56 {offsets = [2047, 0], sizes = [1, 8], strides = [1, 1]} : vector<2048x8xf32> to vector<1x8xf32>
    %add3A_57 = arith.constant 1.000000e+00 : f32
    %add3A_58 = vector.broadcast %add3A_57 : f32 to vector<1x8xf32>
    %add3A_59 = arith.addf %slice3A, %add3A_58 : vector<1x8xf32>
    %add3A_60 = arith.constant 5.110000e+02 : f32
    %add3A_61 = vector.broadcast %add3A_60 : f32 to vector<1x8xf32>
    %add3A_62 = arith.addf %add3A_59, %add3A_61 : vector<1x8xf32>
    %div3A_63 = arith.constant 5.120000e+02 : f32
    %div3A_64 = vector.broadcast %div3A_63 : f32 to vector<1x8xf32>
    %div3A_65 = arith.divf %add3A_62, %div3A_64 : vector<1x8xf32>
    %floor3A = math.floor %div3A_65 : vector<1x8xf32>
    %iota3A_66 = tpu.iota {dimensions = array<i32: 0>} : vector<8x8xi32>
    %iota3A_67 = tpu.iota {dimensions = array<i32: 1>} : vector<8x8xi32>
    %lt3A = arith.cmpi slt, %iota3A_66, %iota3A_67 : vector<8x8xi32>
    %jit3A_68 = arith.constant 1.000000e+00 : f32
    %jit3A_69 = arith.constant 0.000000e+00 : f32
    %broadcast_in_dim3A_70 = vector.broadcast %jit3A_68 : f32 to vector<8x8xf32>
    %broadcast_in_dim3A_71 = vector.broadcast %jit3A_69 : f32 to vector<8x8xf32>
    %select_n3A_72 = arith.select %lt3A, %broadcast_in_dim3A_70, %broadcast_in_dim3A_71 : vector<8x8xi1>, vector<8x8xf32>
    %dot_general3A_73 = arith.constant dense<0.000000e+00> : vector<1x8xf32>
    %dot_general3A_74 = tpu.matmul %floor3A, %select_n3A_72, %dot_general3A_73 {dimension_numbers = #tpu.dot_dimension_numbers<[1], [0], [0], [1], [0, 0, 1, 1], [], []>, precision = #tpu.contract_precision<fp32>, transpose_lhs_hint = false} : vector<1x8xf32>, vector<8x8xf32>, vector<1x8xf32> -> vector<1x8xf32>
    %mul3A_75 = arith.constant 5.120000e+02 : f32
    %mul3A_76 = vector.broadcast %mul3A_75 : f32 to vector<1x8xf32>
    %mul3A_77 = arith.mulf %dot_general3A_74, %mul3A_76 : vector<1x8xf32>
    %add3A_78 = vector.broadcast %mul3A_77 : vector<1x8xf32> to vector<2048x8xf32>
    %add3A_79 = arith.addf %add3A_78, %sub3A_56 : vector<2048x8xf32>
    %jit3A_80 = arith.constant 0.000000e+00 : f32
    %broadcast_in_dim3A_81 = vector.broadcast %jit3A_80 : f32 to vector<2048x8xf32>
    %select_n3A_82 = arith.select %eq3A_23, %add3A_79, %broadcast_in_dim3A_81 : vector<2048x8xi1>, vector<2048x8xf32>
    %reduce_sum3A_83 = arith.constant dense<0.000000e+00> : vector<2048xf32>
    %reduce_sum3A_84 = vector.multi_reduction <add>, %select_n3A_82, %reduce_sum3A_83 [1] : vector<2048x8xf32> to vector<2048xf32>
    %broadcast_in_dim3A_85 = vector.shape_cast %reduce_sum3A_84 : vector<2048xf32> to vector<2048x1xf32>
    %convert_element_type3A_86 = arith.fptosi %broadcast_in_dim3A_85 : vector<2048x1xf32> to vector<2048x1xi32>
    %swap3A_87 = arith.constant 0 : index
    %swap3A_88 = arith.constant 0 : index
    %swap3A_89 = vector.load %arg1[%swap3A_87, %swap3A_88] : memref<2048x1xi32, #tpu.memory_space<vmem>>, vector<2048x1xi32>
    tpu.vector_store %arg1[%swap3A_87, %swap3A_88], %convert_element_type3A_86 {strides = array<i32>} : memref<2048x1xi32, #tpu.memory_space<vmem>>, vector<2048x1xi32>,
    %jit3A_90 = arith.constant 0.000000e+00 : f32
    %broadcast_in_dim3A_91 = vector.broadcast %jit3A_90 : f32 to vector<2048x8xf32>
    %select_n3A_92 = arith.select %eq3A_25, %add3A_79, %broadcast_in_dim3A_91 : vector<2048x8xi1>, vector<2048x8xf32>
    %reduce_sum3A_93 = arith.constant dense<0.000000e+00> : vector<2048xf32>
    %reduce_sum3A_94 = vector.multi_reduction <add>, %select_n3A_92, %reduce_sum3A_93 [1] : vector<2048x8xf32> to vector<2048xf32>
    %broadcast_in_dim3A_95 = vector.shape_cast %reduce_sum3A_94 : vector<2048xf32> to vector<2048x1xf32>
    %convert_element_type3A_96 = arith.fptosi %broadcast_in_dim3A_95 : vector<2048x1xf32> to vector<2048x1xi32>
    %swap3A_97 = arith.constant 0 : index
    %swap3A_98 = arith.constant 0 : index
    %swap3A_99 = vector.load %arg2[%swap3A_97, %swap3A_98] : memref<2048x1xi32, #tpu.memory_space<vmem>>, vector<2048x1xi32>
    tpu.vector_store %arg2[%swap3A_97, %swap3A_98], %convert_element_type3A_96 {strides = array<i32>} : memref<2048x1xi32, #tpu.memory_space<vmem>>, vector<2048x1xi32>,
    %swap3A_100 = arith.constant 0 : index
    %swap3A_101 = arith.constant 0 : index
    %swap3A_102 = vector.load %arg3[%swap3A_100, %swap3A_101] : memref<2048x1xf32, #tpu.memory_space<vmem>>, vector<2048x1xf32>
    tpu.vector_store %arg3[%swap3A_100, %swap3A_101], %broadcast_in_dim3A {strides = array<i32>} : memref<2048x1xf32, #tpu.memory_space<vmem>>, vector<2048x1xf32>,
    %swap3A_103 = arith.constant 0 : index
    %swap3A_104 = arith.constant 0 : index
    %swap3A_105 = vector.load %arg4[%swap3A_103, %swap3A_104] : memref<2048x1xf32, #tpu.memory_space<vmem>>, vector<2048x1xf32>
    tpu.vector_store %arg4[%swap3A_103, %swap3A_104], %broadcast_in_dim3A_13 {strides = array<i32>} : memref<2048x1xf32, #tpu.memory_space<vmem>>, vector<2048x1xf32>,
    %div3A_106 = arith.constant 5.120000e+02 : f32
    %div3A_107 = vector.broadcast %div3A_106 : f32 to vector<1x8xf32>
    %div3A_108 = arith.divf %mul3A_77, %div3A_107 : vector<1x8xf32>
    %add3A_109 = arith.addf %div3A_108, %floor3A : vector<1x8xf32>
    %iota3A_110 = tpu.iota {dimensions = array<i32: 0>} : vector<16x8xi32>
    %convert_element_type3A_111 = arith.sitofp %iota3A_110 : vector<16x8xi32> to vector<16x8xf32>
    %le3A = vector.broadcast %add3A_109 : vector<1x8xf32> to vector<16x8xf32>
    %le3A_112 = arith.cmpf ole, %le3A, %convert_element_type3A_111 : vector<16x8xf32>
    %jit3A_113 = arith.constant 1.000000e+00 : f32
    %jit3A_114 = arith.constant 0.000000e+00 : f32
    %broadcast_in_dim3A_115 = vector.broadcast %jit3A_113 : f32 to vector<16x8xf32>
    %broadcast_in_dim3A_116 = vector.broadcast %jit3A_114 : f32 to vector<16x8xf32>
    %select_n3A_117 = arith.select %le3A_112, %broadcast_in_dim3A_115, %broadcast_in_dim3A_116 : vector<16x8xi1>, vector<16x8xf32>
    %reduce_sum3A_118 = arith.constant dense<0.000000e+00> : vector<16xf32>
    %reduce_sum3A_119 = vector.multi_reduction <add>, %select_n3A_117, %reduce_sum3A_118 [1] : vector<16x8xf32> to vector<16xf32>
    %broadcast_in_dim3A_120 = vector.shape_cast %reduce_sum3A_119 : vector<16xf32> to vector<16x1xf32>
    %min3A = arith.constant 7.000000e+00 : f32
    %min3A_121 = vector.broadcast %min3A : f32 to vector<16x1xf32>
    %min3A_122 = arith.minimumf %broadcast_in_dim3A_120, %min3A_121 : vector<16x1xf32>
    %convert_element_type3A_123 = arith.fptosi %min3A_122 : vector<16x1xf32> to vector<16x1xi32>
    %reduce_sum3A_124 = arith.constant dense<0.000000e+00> : vector<1xf32>
    %reduce_sum3A_125 = vector.multi_reduction <add>, %floor3A, %reduce_sum3A_124 [1] : vector<1x8xf32> to vector<1xf32>
    %broadcast_in_dim3A_126 = vector.shape_cast %reduce_sum3A_125 : vector<1xf32> to vector<1x1xf32>
    %convert_element_type3A_127 = arith.fptosi %broadcast_in_dim3A_126 : vector<1x1xf32> to vector<1x1xi32>
    %concatenate3A = tpu.concatenate %convert_element_type3A_123, %convert_element_type3A_127 in 0 : vector<16x1xi32>, vector<1x1xi32> -> vector<17x1xi32>
    %swap3A_128 = arith.constant 0 : index
    %swap3A_129 = arith.constant 0 : index
    %swap3A_130 = vector.load %arg5[%swap3A_128, %swap3A_129] : memref<17x1xi32, #tpu.memory_space<vmem>>, vector<17x1xi32>
    tpu.vector_store %arg5[%swap3A_128, %swap3A_129], %concatenate3A {strides = array<i32>} : memref<17x1xi32, #tpu.memory_space<vmem>>, vector<17x1xi32>,
    return
  }
}

module attributes {stable_mosaic.version = 14 : i64} {
  func.func @_expert_body(%arg0: i32, %arg1: memref<17xi32, #tpu.memory_space<smem>>, %arg2: memref<512x768xf32, #tpu.memory_space<vmem>>, %arg3: memref<1x1x64xf32, #tpu.memory_space<vmem>>, %arg4: memref<1x768x64xf32, #tpu.memory_space<vmem>>, %arg5: memref<1x1x768xf32, #tpu.memory_space<vmem>>, %arg6: memref<1x628x1536xf32, #tpu.memory_space<vmem>>, %arg7: memref<1x1x628xf32, #tpu.memory_space<vmem>>, %arg8: memref<1x768x628xf32, #tpu.memory_space<vmem>>, %arg9: memref<1x1x768xf32, #tpu.memory_space<vmem>>, %arg10: memref<1x628x768xf32, #tpu.memory_space<vmem>>, %arg11: memref<1x1x628xf32, #tpu.memory_space<vmem>>, %arg12: memref<1x768x628xf32, #tpu.memory_space<vmem>>, %arg13: memref<1x1x768xf32, #tpu.memory_space<vmem>>, %arg14: memref<1x1x768xf32, #tpu.memory_space<vmem>>, %arg15: memref<1x1x768xf32, #tpu.memory_space<vmem>>, %arg16: memref<512x768xf32, #tpu.memory_space<vmem>>) attributes {dimension_semantics = [#tpu.dimension_semantics<arbitrary>], iteration_bounds = array<i64: 16>, scalar_prefetch = 1 : i64, scratch_operands = 0 : i64, tpu.core_type = #tpu.core_type<tc>, window_params = [{transform_indices = @transform_0, window_bounds = array<i64: 512, 768>}, {transform_indices = @transform_1, window_bounds = array<i64: 1, 1, 64>}, {transform_indices = @transform_2, window_bounds = array<i64: 1, 768, 64>}, {transform_indices = @transform_3, window_bounds = array<i64: 1, 1, 768>}, {transform_indices = @transform_4, window_bounds = array<i64: 1, 628, 1536>}, {transform_indices = @transform_5, window_bounds = array<i64: 1, 1, 628>}, {transform_indices = @transform_6, window_bounds = array<i64: 1, 768, 628>}, {transform_indices = @transform_7, window_bounds = array<i64: 1, 1, 768>}, {transform_indices = @transform_8, window_bounds = array<i64: 1, 628, 768>}, {transform_indices = @transform_9, window_bounds = array<i64: 1, 1, 628>}, {transform_indices = @transform_10, window_bounds = array<i64: 1, 768, 628>}, {transform_indices = @transform_11, window_bounds = array<i64: 1, 1, 768>}, {transform_indices = @transform_12, window_bounds = array<i64: 1, 1, 768>}, {transform_indices = @transform_13, window_bounds = array<i64: 1, 1, 768>}, {transform_indices = @transform_14, window_bounds = array<i64: 512, 768>}]} {
    %get3A = arith.constant 16 : index
    %get3A_0 = memref.load %arg1[%get3A] : memref<17xi32, #tpu.memory_space<smem>>
    %lt3A = arith.cmpi slt, %arg0, %get3A_0 : i32
    %convert_element_type3A = arith.extui %lt3A : i1 to i32
    %cond3A = arith.constant 0 : i32
    %cond3A_1 = arith.cmpi ne, %convert_element_type3A, %cond3A : i32
    scf.if %cond3A_1 {
      %get3A_2 = arith.constant 0 : index
      %get3A_3 = arith.constant 0 : index
      %get3A_4 = vector.load %arg2[%get3A_2, %get3A_3] : memref<512x768xf32, #tpu.memory_space<vmem>>, vector<512x768xf32>
      %get3A_5 = arith.constant 0 : index
      %get3A_6 = arith.constant 0 : index
      %get3A_7 = arith.constant 0 : index
      %get3A_8 = vector.load %arg6[%get3A_5, %get3A_6, %get3A_7] : memref<1x628x1536xf32, #tpu.memory_space<vmem>>, vector<1x628x1536xf32>
      %get3A_9 = vector.shape_cast %get3A_8 : vector<1x628x1536xf32> to vector<628x1536xf32>
      %get3A_10 = arith.constant 0 : index
      %get3A_11 = arith.constant 0 : index
      %get3A_12 = arith.constant 0 : index
      %get3A_13 = vector.load %arg3[%get3A_10, %get3A_11, %get3A_12] : memref<1x1x64xf32, #tpu.memory_space<vmem>>, vector<1x1x64xf32>
      %get3A_14 = vector.shape_cast %get3A_13 : vector<1x1x64xf32> to vector<1x64xf32>
      %get3A_15 = arith.constant 0 : index
      %get3A_16 = arith.constant 0 : index
      %get3A_17 = arith.constant 0 : index
      %get3A_18 = vector.load %arg4[%get3A_15, %get3A_16, %get3A_17] : memref<1x768x64xf32, #tpu.memory_space<vmem>>, vector<1x768x64xf32>
      %get3A_19 = vector.shape_cast %get3A_18 : vector<1x768x64xf32> to vector<768x64xf32>
      %dot_general3A = arith.constant dense<0.000000e+00> : vector<1x768xf32>
      %dot_general3A_20 = tpu.matmul %get3A_14, %get3A_19, %dot_general3A {dimension_numbers = #tpu.dot_dimension_numbers<[1], [1], [0], [0], [0, 0, 1, 0], [], []>, transpose_lhs_hint = false} : vector<1x64xf32>, vector<768x64xf32>, vector<1x768xf32> -> vector<1x768xf32>
      %get3A_21 = arith.constant 0 : index
      %get3A_22 = arith.constant 0 : index
      %get3A_23 = arith.constant 0 : index
      %get3A_24 = vector.load %arg5[%get3A_21, %get3A_22, %get3A_23] : memref<1x1x768xf32, #tpu.memory_space<vmem>>, vector<1x1x768xf32>
      %get3A_25 = vector.shape_cast %get3A_24 : vector<1x1x768xf32> to vector<1x768xf32>
      %add3A = arith.addf %dot_general3A_20, %get3A_25 : vector<1x768xf32>
      %slice3A = vector.extract_strided_slice %get3A_9 {offsets = [0, 768], sizes = [628, 768], strides = [1, 1]} : vector<628x1536xf32> to vector<628x768xf32>
      %dot_general3A_26 = arith.constant dense<0.000000e+00> : vector<1x628xf32>
      %dot_general3A_27 = tpu.matmul %add3A, %slice3A, %dot_general3A_26 {dimension_numbers = #tpu.dot_dimension_numbers<[1], [1], [0], [0], [0, 0, 1, 0], [], []>, transpose_lhs_hint = false} : vector<1x768xf32>, vector<628x768xf32>, vector<1x628xf32> -> vector<1x628xf32>
      %get3A_28 = arith.constant 0 : index
      %get3A_29 = arith.constant 0 : index
      %get3A_30 = arith.constant 0 : index
      %get3A_31 = vector.load %arg7[%get3A_28, %get3A_29, %get3A_30] : memref<1x1x628xf32, #tpu.memory_space<vmem>>, vector<1x1x628xf32>
      %get3A_32 = vector.shape_cast %get3A_31 : vector<1x1x628xf32> to vector<1x628xf32>
      %add3A_33 = arith.addf %dot_general3A_27, %get3A_32 : vector<1x628xf32>
      %slice3A_34 = vector.extract_strided_slice %get3A_9 {offsets = [0, 0], sizes = [628, 768], strides = [1, 1]} : vector<628x1536xf32> to vector<628x768xf32>
      %dot_general3A_35 = arith.constant dense<0.000000e+00> : vector<512x628xf32>
      %dot_general3A_36 = tpu.matmul %get3A_4, %slice3A_34, %dot_general3A_35 {dimension_numbers = #tpu.dot_dimension_numbers<[1], [1], [0], [0], [0, 0, 1, 0], [], []>, transpose_lhs_hint = false} : vector<512x768xf32>, vector<628x768xf32>, vector<512x628xf32> -> vector<512x628xf32>
      %add3A_37 = vector.broadcast %add3A_33 : vector<1x628xf32> to vector<512x628xf32>
      %add3A_38 = arith.addf %dot_general3A_36, %add3A_37 : vector<512x628xf32>
      %max3A = arith.constant 0.000000e+00 : f32
      %max3A_39 = vector.broadcast %max3A : f32 to vector<512x628xf32>
      %max3A_40 = arith.maximumf %add3A_38, %max3A_39 : vector<512x628xf32>
      %get3A_41 = arith.constant 0 : index
      %get3A_42 = arith.constant 0 : index
      %get3A_43 = arith.constant 0 : index
      %get3A_44 = vector.load %arg8[%get3A_41, %get3A_42, %get3A_43] : memref<1x768x628xf32, #tpu.memory_space<vmem>>, vector<1x768x628xf32>
      %get3A_45 = vector.shape_cast %get3A_44 : vector<1x768x628xf32> to vector<768x628xf32>
      %dot_general3A_46 = arith.constant dense<0.000000e+00> : vector<512x768xf32>
      %dot_general3A_47 = tpu.matmul %max3A_40, %get3A_45, %dot_general3A_46 {dimension_numbers = #tpu.dot_dimension_numbers<[1], [1], [0], [0], [0, 0, 1, 0], [], []>, transpose_lhs_hint = false} : vector<512x628xf32>, vector<768x628xf32>, vector<512x768xf32> -> vector<512x768xf32>
      %get3A_48 = arith.constant 0 : index
      %get3A_49 = arith.constant 0 : index
      %get3A_50 = arith.constant 0 : index
      %get3A_51 = vector.load %arg9[%get3A_48, %get3A_49, %get3A_50] : memref<1x1x768xf32, #tpu.memory_space<vmem>>, vector<1x1x768xf32>
      %get3A_52 = vector.shape_cast %get3A_51 : vector<1x1x768xf32> to vector<1x768xf32>
      %add3A_53 = vector.broadcast %get3A_52 : vector<1x768xf32> to vector<512x768xf32>
      %add3A_54 = arith.addf %dot_general3A_47, %add3A_53 : vector<512x768xf32>
      %neg3A = arith.constant 0.000000e+00 : f32
      %neg3A_55 = vector.broadcast %neg3A : f32 to vector<512x768xf32>
      %neg3A_56 = arith.subf %neg3A_55, %add3A_54 : vector<512x768xf32>
      %exp3A = math.exp %neg3A_56 : vector<512x768xf32>
      %add3A_57 = arith.constant 1.000000e+00 : f32
      %add3A_58 = vector.broadcast %add3A_57 : f32 to vector<512x768xf32>
      %add3A_59 = arith.addf %add3A_58, %exp3A : vector<512x768xf32>
      %div3A = arith.constant 1.000000e+00 : f32
      %div3A_60 = vector.broadcast %div3A : f32 to vector<512x768xf32>
      %div3A_61 = arith.divf %div3A_60, %add3A_59 : vector<512x768xf32>
      %mul3A = arith.mulf %get3A_4, %div3A_61 : vector<512x768xf32>
      %sub3A = arith.constant 1.000000e+00 : f32
      %sub3A_62 = vector.broadcast %sub3A : f32 to vector<512x768xf32>
      %sub3A_63 = arith.subf %sub3A_62, %div3A_61 : vector<512x768xf32>
      %mul3A_64 = vector.broadcast %add3A : vector<1x768xf32> to vector<512x768xf32>
      %mul3A_65 = arith.mulf %mul3A_64, %sub3A_63 : vector<512x768xf32>
      %add3A_66 = arith.addf %mul3A, %mul3A_65 : vector<512x768xf32>
      %get3A_67 = arith.constant 0 : index
      %get3A_68 = arith.constant 0 : index
      %get3A_69 = arith.constant 0 : index
      %get3A_70 = vector.load %arg10[%get3A_67, %get3A_68, %get3A_69] : memref<1x628x768xf32, #tpu.memory_space<vmem>>, vector<1x628x768xf32>
      %get3A_71 = vector.shape_cast %get3A_70 : vector<1x628x768xf32> to vector<628x768xf32>
      %dot_general3A_72 = arith.constant dense<0.000000e+00> : vector<512x628xf32>
      %dot_general3A_73 = tpu.matmul %add3A_66, %get3A_71, %dot_general3A_72 {dimension_numbers = #tpu.dot_dimension_numbers<[1], [1], [0], [0], [0, 0, 1, 0], [], []>, transpose_lhs_hint = false} : vector<512x768xf32>, vector<628x768xf32>, vector<512x628xf32> -> vector<512x628xf32>
      %get3A_74 = arith.constant 0 : index
      %get3A_75 = arith.constant 0 : index
      %get3A_76 = arith.constant 0 : index
      %get3A_77 = vector.load %arg11[%get3A_74, %get3A_75, %get3A_76] : memref<1x1x628xf32, #tpu.memory_space<vmem>>, vector<1x1x628xf32>
      %get3A_78 = vector.shape_cast %get3A_77 : vector<1x1x628xf32> to vector<1x628xf32>
      %add3A_79 = vector.broadcast %get3A_78 : vector<1x628xf32> to vector<512x628xf32>
      %add3A_80 = arith.addf %dot_general3A_73, %add3A_79 : vector<512x628xf32>
      %max3A_81 = arith.constant 0.000000e+00 : f32
      %max3A_82 = vector.broadcast %max3A_81 : f32 to vector<512x628xf32>
      %max3A_83 = arith.maximumf %add3A_80, %max3A_82 : vector<512x628xf32>
      %get3A_84 = arith.constant 0 : index
      %get3A_85 = arith.constant 0 : index
      %get3A_86 = arith.constant 0 : index
      %get3A_87 = vector.load %arg12[%get3A_84, %get3A_85, %get3A_86] : memref<1x768x628xf32, #tpu.memory_space<vmem>>, vector<1x768x628xf32>
      %get3A_88 = vector.shape_cast %get3A_87 : vector<1x768x628xf32> to vector<768x628xf32>
      %dot_general3A_89 = arith.constant dense<0.000000e+00> : vector<512x768xf32>
      %dot_general3A_90 = tpu.matmul %max3A_83, %get3A_88, %dot_general3A_89 {dimension_numbers = #tpu.dot_dimension_numbers<[1], [1], [0], [0], [0, 0, 1, 0], [], []>, transpose_lhs_hint = false} : vector<512x628xf32>, vector<768x628xf32>, vector<512x768xf32> -> vector<512x768xf32>
      %get3A_91 = arith.constant 0 : index
      %get3A_92 = arith.constant 0 : index
      %get3A_93 = arith.constant 0 : index
      %get3A_94 = vector.load %arg13[%get3A_91, %get3A_92, %get3A_93] : memref<1x1x768xf32, #tpu.memory_space<vmem>>, vector<1x1x768xf32>
      %get3A_95 = vector.shape_cast %get3A_94 : vector<1x1x768xf32> to vector<1x768xf32>
      %add3A_96 = vector.broadcast %get3A_95 : vector<1x768xf32> to vector<512x768xf32>
      %add3A_97 = arith.addf %dot_general3A_90, %add3A_96 : vector<512x768xf32>
      %add3A_98 = arith.addf %add3A_97, %get3A_4 : vector<512x768xf32>
      %reduce_sum3A = arith.constant dense<0.000000e+00> : vector<512xf32>
      %reduce_sum3A_99 = vector.multi_reduction <add>, %add3A_98, %reduce_sum3A [1] : vector<512x768xf32> to vector<512xf32>
      %broadcast_in_dim3A = vector.shape_cast %reduce_sum3A_99 : vector<512xf32> to vector<512x1xf32>
      %div3A_100 = arith.constant 7.680000e+02 : f32
      %div3A_101 = vector.broadcast %div3A_100 : f32 to vector<512x1xf32>
      %div3A_102 = arith.divf %broadcast_in_dim3A, %div3A_101 : vector<512x1xf32>
      %sub3A_103 = vector.broadcast %div3A_102 : vector<512x1xf32> to vector<512x768xf32>
      %sub3A_104 = arith.subf %add3A_98, %sub3A_103 : vector<512x768xf32>
      %mul3A_105 = arith.mulf %sub3A_104, %sub3A_104 : vector<512x768xf32>
      %reduce_sum3A_106 = arith.constant dense<0.000000e+00> : vector<512xf32>
      %reduce_sum3A_107 = vector.multi_reduction <add>, %mul3A_105, %reduce_sum3A_106 [1] : vector<512x768xf32> to vector<512xf32>
      %broadcast_in_dim3A_108 = vector.shape_cast %reduce_sum3A_107 : vector<512xf32> to vector<512x1xf32>
      %div3A_109 = arith.constant 7.680000e+02 : f32
      %div3A_110 = vector.broadcast %div3A_109 : f32 to vector<512x1xf32>
      %div3A_111 = arith.divf %broadcast_in_dim3A_108, %div3A_110 : vector<512x1xf32>
      %add3A_112 = arith.constant 9.99999974E-6 : f32
      %add3A_113 = vector.broadcast %add3A_112 : f32 to vector<512x1xf32>
      %add3A_114 = arith.addf %div3A_111, %add3A_113 : vector<512x1xf32>
      %rsqrt3A = math.rsqrt %add3A_114 : vector<512x1xf32>
      %mul3A_115 = vector.broadcast %rsqrt3A : vector<512x1xf32> to vector<512x768xf32>
      %mul3A_116 = arith.mulf %sub3A_104, %mul3A_115 : vector<512x768xf32>
      %get3A_117 = arith.constant 0 : index
      %get3A_118 = arith.constant 0 : index
      %get3A_119 = arith.constant 0 : index
      %get3A_120 = vector.load %arg14[%get3A_117, %get3A_118, %get3A_119] : memref<1x1x768xf32, #tpu.memory_space<vmem>>, vector<1x1x768xf32>
      %get3A_121 = vector.shape_cast %get3A_120 : vector<1x1x768xf32> to vector<1x768xf32>
      %mul3A_122 = vector.broadcast %get3A_121 : vector<1x768xf32> to vector<512x768xf32>
      %mul3A_123 = arith.mulf %mul3A_116, %mul3A_122 : vector<512x768xf32>
      %get3A_124 = arith.constant 0 : index
      %get3A_125 = arith.constant 0 : index
      %get3A_126 = arith.constant 0 : index
      %get3A_127 = vector.load %arg15[%get3A_124, %get3A_125, %get3A_126] : memref<1x1x768xf32, #tpu.memory_space<vmem>>, vector<1x1x768xf32>
      %get3A_128 = vector.shape_cast %get3A_127 : vector<1x1x768xf32> to vector<1x768xf32>
      %add3A_129 = vector.broadcast %get3A_128 : vector<1x768xf32> to vector<512x768xf32>
      %add3A_130 = arith.addf %mul3A_123, %add3A_129 : vector<512x768xf32>
      %swap3A = arith.constant 0 : index
      %swap3A_131 = arith.constant 0 : index
      %swap3A_132 = vector.load %arg16[%swap3A, %swap3A_131] : memref<512x768xf32, #tpu.memory_space<vmem>>, vector<512x768xf32>
      tpu.vector_store %arg16[%swap3A, %swap3A_131], %add3A_130 {strides = array<i32>} : memref<512x768xf32, #tpu.memory_space<vmem>>, vector<512x768xf32>,
    } else {
    }
    return
  }
  func.func @transform_0(%arg0: i32, %arg1: memref<17xi32, #tpu.memory_space<smem>>) -> (i32, i32) {
    %c0_i32 = arith.constant 0 : i32
    %c0_i32_0 = arith.constant 0 : i32
    return %arg0, %c0_i32 : i32, i32
  }
  func.func @transform_1(%arg0: i32, %arg1: memref<17xi32, #tpu.memory_space<smem>>) -> (i32, i32, i32) {
    %get3A = arith.index_cast %arg0 : i32 to index
    %get3A_0 = memref.load %arg1[%get3A] : memref<17xi32, #tpu.memory_space<smem>>
    %c0_i32 = arith.constant 0 : i32
    %c0_i32_1 = arith.constant 0 : i32
    %c0_i32_2 = arith.constant 0 : i32
    return %get3A_0, %c0_i32, %c0_i32_1 : i32, i32, i32
  }
  func.func @transform_2(%arg0: i32, %arg1: memref<17xi32, #tpu.memory_space<smem>>) -> (i32, i32, i32) {
    %get3A = arith.index_cast %arg0 : i32 to index
    %get3A_0 = memref.load %arg1[%get3A] : memref<17xi32, #tpu.memory_space<smem>>
    %c0_i32 = arith.constant 0 : i32
    %c0_i32_1 = arith.constant 0 : i32
    %c0_i32_2 = arith.constant 0 : i32
    return %get3A_0, %c0_i32, %c0_i32_1 : i32, i32, i32
  }
  func.func @transform_3(%arg0: i32, %arg1: memref<17xi32, #tpu.memory_space<smem>>) -> (i32, i32, i32) {
    %get3A = arith.index_cast %arg0 : i32 to index
    %get3A_0 = memref.load %arg1[%get3A] : memref<17xi32, #tpu.memory_space<smem>>
    %c0_i32 = arith.constant 0 : i32
    %c0_i32_1 = arith.constant 0 : i32
    %c0_i32_2 = arith.constant 0 : i32
    return %get3A_0, %c0_i32, %c0_i32_1 : i32, i32, i32
  }
  func.func @transform_4(%arg0: i32, %arg1: memref<17xi32, #tpu.memory_space<smem>>) -> (i32, i32, i32) {
    %get3A = arith.index_cast %arg0 : i32 to index
    %get3A_0 = memref.load %arg1[%get3A] : memref<17xi32, #tpu.memory_space<smem>>
    %c0_i32 = arith.constant 0 : i32
    %c0_i32_1 = arith.constant 0 : i32
    %c0_i32_2 = arith.constant 0 : i32
    return %get3A_0, %c0_i32, %c0_i32_1 : i32, i32, i32
  }
  func.func @transform_5(%arg0: i32, %arg1: memref<17xi32, #tpu.memory_space<smem>>) -> (i32, i32, i32) {
    %get3A = arith.index_cast %arg0 : i32 to index
    %get3A_0 = memref.load %arg1[%get3A] : memref<17xi32, #tpu.memory_space<smem>>
    %c0_i32 = arith.constant 0 : i32
    %c0_i32_1 = arith.constant 0 : i32
    %c0_i32_2 = arith.constant 0 : i32
    return %get3A_0, %c0_i32, %c0_i32_1 : i32, i32, i32
  }
  func.func @transform_6(%arg0: i32, %arg1: memref<17xi32, #tpu.memory_space<smem>>) -> (i32, i32, i32) {
    %get3A = arith.index_cast %arg0 : i32 to index
    %get3A_0 = memref.load %arg1[%get3A] : memref<17xi32, #tpu.memory_space<smem>>
    %c0_i32 = arith.constant 0 : i32
    %c0_i32_1 = arith.constant 0 : i32
    %c0_i32_2 = arith.constant 0 : i32
    return %get3A_0, %c0_i32, %c0_i32_1 : i32, i32, i32
  }
  func.func @transform_7(%arg0: i32, %arg1: memref<17xi32, #tpu.memory_space<smem>>) -> (i32, i32, i32) {
    %get3A = arith.index_cast %arg0 : i32 to index
    %get3A_0 = memref.load %arg1[%get3A] : memref<17xi32, #tpu.memory_space<smem>>
    %c0_i32 = arith.constant 0 : i32
    %c0_i32_1 = arith.constant 0 : i32
    %c0_i32_2 = arith.constant 0 : i32
    return %get3A_0, %c0_i32, %c0_i32_1 : i32, i32, i32
  }
  func.func @transform_8(%arg0: i32, %arg1: memref<17xi32, #tpu.memory_space<smem>>) -> (i32, i32, i32) {
    %get3A = arith.index_cast %arg0 : i32 to index
    %get3A_0 = memref.load %arg1[%get3A] : memref<17xi32, #tpu.memory_space<smem>>
    %c0_i32 = arith.constant 0 : i32
    %c0_i32_1 = arith.constant 0 : i32
    %c0_i32_2 = arith.constant 0 : i32
    return %get3A_0, %c0_i32, %c0_i32_1 : i32, i32, i32
  }
  func.func @transform_9(%arg0: i32, %arg1: memref<17xi32, #tpu.memory_space<smem>>) -> (i32, i32, i32) {
    %get3A = arith.index_cast %arg0 : i32 to index
    %get3A_0 = memref.load %arg1[%get3A] : memref<17xi32, #tpu.memory_space<smem>>
    %c0_i32 = arith.constant 0 : i32
    %c0_i32_1 = arith.constant 0 : i32
    %c0_i32_2 = arith.constant 0 : i32
    return %get3A_0, %c0_i32, %c0_i32_1 : i32, i32, i32
  }
  func.func @transform_10(%arg0: i32, %arg1: memref<17xi32, #tpu.memory_space<smem>>) -> (i32, i32, i32) {
    %get3A = arith.index_cast %arg0 : i32 to index
    %get3A_0 = memref.load %arg1[%get3A] : memref<17xi32, #tpu.memory_space<smem>>
    %c0_i32 = arith.constant 0 : i32
    %c0_i32_1 = arith.constant 0 : i32
    %c0_i32_2 = arith.constant 0 : i32
    return %get3A_0, %c0_i32, %c0_i32_1 : i32, i32, i32
  }
  func.func @transform_11(%arg0: i32, %arg1: memref<17xi32, #tpu.memory_space<smem>>) -> (i32, i32, i32) {
    %get3A = arith.index_cast %arg0 : i32 to index
    %get3A_0 = memref.load %arg1[%get3A] : memref<17xi32, #tpu.memory_space<smem>>
    %c0_i32 = arith.constant 0 : i32
    %c0_i32_1 = arith.constant 0 : i32
    %c0_i32_2 = arith.constant 0 : i32
    return %get3A_0, %c0_i32, %c0_i32_1 : i32, i32, i32
  }
  func.func @transform_12(%arg0: i32, %arg1: memref<17xi32, #tpu.memory_space<smem>>) -> (i32, i32, i32) {
    %get3A = arith.index_cast %arg0 : i32 to index
    %get3A_0 = memref.load %arg1[%get3A] : memref<17xi32, #tpu.memory_space<smem>>
    %c0_i32 = arith.constant 0 : i32
    %c0_i32_1 = arith.constant 0 : i32
    %c0_i32_2 = arith.constant 0 : i32
    return %get3A_0, %c0_i32, %c0_i32_1 : i32, i32, i32
  }
  func.func @transform_13(%arg0: i32, %arg1: memref<17xi32, #tpu.memory_space<smem>>) -> (i32, i32, i32) {
    %get3A = arith.index_cast %arg0 : i32 to index
    %get3A_0 = memref.load %arg1[%get3A] : memref<17xi32, #tpu.memory_space<smem>>
    %c0_i32 = arith.constant 0 : i32
    %c0_i32_1 = arith.constant 0 : i32
    %c0_i32_2 = arith.constant 0 : i32
    return %get3A_0, %c0_i32, %c0_i32_1 : i32, i32, i32
  }
  func.func @transform_14(%arg0: i32, %arg1: memref<17xi32, #tpu.memory_space<smem>>) -> (i32, i32) {
    %c0_i32 = arith.constant 0 : i32
    %c0_i32_0 = arith.constant 0 : i32
    return %arg0, %c0_i32 : i32, i32
  }
}

module attributes {stable_mosaic.version = 14 : i64} {
  func.func @_comb_body(%arg0: i32, %arg1: memref<256x768xf32, #tpu.memory_space<vmem>>, %arg2: memref<256x768xf32, #tpu.memory_space<vmem>>, %arg3: memref<256x1xf32, #tpu.memory_space<vmem>>, %arg4: memref<256x1xf32, #tpu.memory_space<vmem>>, %arg5: memref<256x768xf32, #tpu.memory_space<vmem>>) attributes {dimension_semantics = [#tpu.dimension_semantics<arbitrary>], iteration_bounds = array<i64: 8>, scalar_prefetch = 0 : i64, scratch_operands = 0 : i64, tpu.core_type = #tpu.core_type<tc>, window_params = [{transform_indices = @transform_0, window_bounds = array<i64: 256, 768>}, {transform_indices = @transform_1, window_bounds = array<i64: 256, 768>}, {transform_indices = @transform_2, window_bounds = array<i64: 256, 1>}, {transform_indices = @transform_3, window_bounds = array<i64: 256, 1>}, {transform_indices = @transform_4, window_bounds = array<i64: 256, 768>}]} {
    %get3A = arith.constant 0 : index
    %get3A_0 = arith.constant 0 : index
    %get3A_1 = vector.load %arg1[%get3A, %get3A_0] : memref<256x768xf32, #tpu.memory_space<vmem>>, vector<256x768xf32>
    %get3A_2 = arith.constant 0 : index
    %get3A_3 = arith.constant 0 : index
    %get3A_4 = vector.load %arg3[%get3A_2, %get3A_3] : memref<256x1xf32, #tpu.memory_space<vmem>>, vector<256x1xf32>
    %mul3A = vector.broadcast %get3A_4 : vector<256x1xf32> to vector<256x768xf32>
    %mul3A_5 = arith.mulf %get3A_1, %mul3A : vector<256x768xf32>
    %get3A_6 = arith.constant 0 : index
    %get3A_7 = arith.constant 0 : index
    %get3A_8 = vector.load %arg2[%get3A_6, %get3A_7] : memref<256x768xf32, #tpu.memory_space<vmem>>, vector<256x768xf32>
    %get3A_9 = arith.constant 0 : index
    %get3A_10 = arith.constant 0 : index
    %get3A_11 = vector.load %arg4[%get3A_9, %get3A_10] : memref<256x1xf32, #tpu.memory_space<vmem>>, vector<256x1xf32>
    %mul3A_12 = vector.broadcast %get3A_11 : vector<256x1xf32> to vector<256x768xf32>
    %mul3A_13 = arith.mulf %get3A_8, %mul3A_12 : vector<256x768xf32>
    %add3A = arith.addf %mul3A_5, %mul3A_13 : vector<256x768xf32>
    %swap3A = arith.constant 0 : index
    %swap3A_14 = arith.constant 0 : index
    %swap3A_15 = vector.load %arg5[%swap3A, %swap3A_14] : memref<256x768xf32, #tpu.memory_space<vmem>>, vector<256x768xf32>
    tpu.vector_store %arg5[%swap3A, %swap3A_14], %add3A {strides = array<i32>} : memref<256x768xf32, #tpu.memory_space<vmem>>, vector<256x768xf32>,
    return
  }
  func.func @transform_0(%arg0: i32) -> (i32, i32) {
    %c0_i32 = arith.constant 0 : i32
    %c0_i32_0 = arith.constant 0 : i32
    return %arg0, %c0_i32 : i32, i32
  }
  func.func @transform_1(%arg0: i32) -> (i32, i32) {
    %c0_i32 = arith.constant 0 : i32
    %c0_i32_0 = arith.constant 0 : i32
    return %arg0, %c0_i32 : i32, i32
  }
  func.func @transform_2(%arg0: i32) -> (i32, i32) {
    %c0_i32 = arith.constant 0 : i32
    %c0_i32_0 = arith.constant 0 : i32
    return %arg0, %c0_i32 : i32, i32
  }
  func.func @transform_3(%arg0: i32) -> (i32, i32) {
    %c0_i32 = arith.constant 0 : i32
    %c0_i32_0 = arith.constant 0 : i32
    return %arg0, %c0_i32 : i32, i32
  }
  func.func @transform_4(%arg0: i32) -> (i32, i32) {
    %c0_i32 = arith.constant 0 : i32
    %c0_i32_0 = arith.constant 0 : i32
    return %arg0, %c0_i32 : i32, i32
  }
}

</mosaic_0001>

<sc_bundles>
// kernel: kernel.11.cloned.1.call-start
scs
__scs_entry_jumppad:
0x0: {  	(pc) =	sbr.rel $0x88, $3  }
0x1: {  	(tag) =	ssettag $0x0;
	lr =	simm.s32 $0x1  }
0x2: {  	[smem:$0x3F8B] =	sst lr;
	_ =	strace $0xD0000000  }
0x3: {  	_ = 	snop  }
0x4: {  	_ = 	snop  }
0x5: {  	_ = 	snop  }
0x6: {  	_ = 	snop  }
0x7: {  	_ = 	snop  }
__scs_overlays_trampoline_lowered:
0x8: {  	[smem:$0x3F9A] =	sst s0  }
0x9: {  	[smem:$0x3F9B] =	sst s1  }
0xa: {  	[smem:$0x3F9C] =	sst s2  }
0xb: {  	[smem:$0x3F9D] =	sst s3  }
0xc: {  	[smem:$0x3F9E] =	sst s4  }
0xd: {  	[smem:$0x3F9F] =	sst s5  }
0xe: {  	[smem:$0x3FA0] =	sst s6  }
0xf: {  	[smem:$0x3FA1] =	sst s7  }
0x10: {  	[smem:$0x3FA2] =	sst s8  }
0x11: {  	[smem:$0x3FA3] =	sst s9;
	s0 =	simm.s32 @!p0 $0x0  }
0x12: {  	s1 =	sld [smem:$0x3F89];
	s0 =	simm.s32 @p0 $0x1  }
0x13: {  	[smem:$0x3FA4] =	sst s0;
	s0 =	simm.s32 @!p1 $0x0  }
0x14: {  	s2 =	sld [smem:$0x3F88];
	s0 =	simm.s32 @p1 $0x1  }
0x15: {  	[smem:$0x3FA5] =	sst s0;
	s0 =	simm.s32 @!p2 $0x0  }
0x16: {  	s3 =	sld [smem:$0x3FDB];
	s0 =	simm.s32 @p2 $0x1  }
0x17: {  	s4 =	simm.s32 $0x1BF5;
	[smem:$0x3FA7] =	sst s0  }
0x18: {  	s0 =	sld [smem:$0x3F8A];
	_ =	swait.ge [sflag:s4], $0x0  }
0x19: {  	s7 =	sld [smem:$0x3F8B]  }
0x1a: {  	s8 =	sadd.s32 $0xFFFFE003, lr  }
0x1b: {  	s9 =	sadd.s32 $0xFFFFFEF7, lr;
	s5 =	simm.s32 $0xFFFFFFFF;
	p2 =	slt.u32 s8, $0xFFFFF086  }
0x1c: {  	p1 =	slt.u32 s9, $0xF7A;
	s5 =	simm.s32 @!p2 $0x0  }
0x1d: {  	s5 =	simm.s32 @p1 $0x1;
	p0 =	seq.s32 s7, s2  }
0x1e: {  	s7 =	smul.u32 @!p0 $0xF7A, s2;
	p2 =	seq.s32 @!p0 s5, $0x0  }
0x1f: {  	s9 =	smul.u32 $0xF7A, s1;
	s8 =	simm.s32 @!p0 $0x1BF5;
	p2 =	por !p2, p0  }
0x20: {  	[sflag:s8] =	ssyncset.s32 @!p0 $0xFFFFF086;
	s6 =	sadd.s32 @!p0 s3, s7;
	s7 =	simm.s32 @!p0 $0x108  }
0x21: {  	s3 =	sadd.s32 s3, s9;
	s6 =	sadd.s32 @!p0 $0x88, s6;
	s7 =	simm.s32 @p2 $0x1082  }
0x22: {  	[simem:s7], [sflag:s8] =	dma.local @!p0 [hbm:s6], $0xF7A  }
0x23: {  	s9 =	sor.u32 $0xD0000000, s2;
	s6 =	simm.s32 $0x108;
	_ =	swait.ge @!p0 [sflag:s8], $0x0  }
0x24: {  	s3 =	sadd.s32 $0x88, s3;
	s6 =	simm.s32 @!p1 $0x1082;
	[sflag:s4] =	ssyncset.s32 $0xFFFFF086  }
0x25: {  	[simem:s6], [sflag:s4] =	dma.local [hbm:s3], $0xF7A  }
0x26: {  	[smem:$0x3F8B] =	sst s1;
	(tag) =	ssettag s2;
	_ =	strace s9  }
0x27: {  	s1 =	sld [smem:$0x3F9B]  }
0x28: {  	s2 =	sld [smem:$0x3F9C]  }
0x29: {  	s4 =	sld [smem:$0x3F9E]  }
0x2a: {  	p0 =	seq.s32 s5, $0x0;
	s5 =	sld [smem:$0x3F9F]  }
0x2b: {  	s6 =	sld [smem:$0x3FA0]  }
0x2c: {  	s7 =	sld [smem:$0x3FA1]  }
0x2d: {  	s3 =	simm.s32 $0x108;
	s8 =	sld [smem:$0x3FA2]  }
0x2e: {  	s3 =	simm.s32 @!p0 $0x1082;
	s9 =	sld [smem:$0x3FA3]  }
0x2f: {  	lr =	sadd.s32 s0, s3;
	s0 =	sld [smem:$0x3F9A]  }
0x30: {  	s3 =	sld [smem:$0x3F9D]  }
0x31: {  	[smem:$0x3FA6] =	sst s10  }
0x32: {  	s10 =	sld [smem:$0x3FA4];
	_ =	sdelay $0x3  }
0x33: {  	p0 =	seq.s32 s10, $0x1;
	s10 =	sld [smem:$0x3FA6];
	_ =	sdelay $0x3  }
0x34: {  	[smem:$0x3FA6] =	sst s10  }
0x35: {  	s10 =	sld [smem:$0x3FA5];
	_ =	sdelay $0x3  }
0x36: {  	p1 =	seq.s32 s10, $0x1;
	s10 =	sld [smem:$0x3FA6];
	_ =	sdelay $0x3  }
0x37: {  	[smem:$0x3FA6] =	sst s10  }
0x38: {  	s10 =	sld [smem:$0x3FA7]  }
0x39: {  	_ = 	snop;
	(pc) =	sbr.ind lr, $3  }
0x3a: {  	_ = 	snop  }
0x3b: {  	_ = 	snop  }
0x3c: {  	p2 =	seq.s32 s10, $0x1;
	s10 =	sld [smem:$0x3FA6]  }
0x3d: {  	_ =	shalt  }
0x3e: {  	_ =	shalt  }
0x3f: {  	_ =	shalt  }
0x40: {  	_ =	shalt  }
0x41: {  	_ =	shalt  }
0x42: {  	_ =	shalt  }
0x43: {  	_ =	shalt  }
0x44: {  	_ =	shalt  }
0x45: {  	_ =	shalt  }
0x46: {  	_ =	shalt  }
0x47: {  	_ =	shalt  }
0x48: {  	_ =	shalt  }
0x49: {  	_ =	shalt  }
0x4a: {  	_ =	shalt  }
0x4b: {  	_ =	shalt  }
0x4c: {  	_ =	shalt  }
0x4d: {  	_ =	shalt  }
0x4e: {  	_ =	shalt  }
0x4f: {  	_ =	shalt  }
0x50: {  	_ =	shalt  }
0x51: {  	_ =	shalt  }
0x52: {  	_ =	shalt  }
0x53: {  	_ =	shalt  }
0x54: {  	_ =	shalt  }
0x55: {  	_ =	shalt  }
0x56: {  	_ =	shalt  }
0x57: {  	_ =	shalt  }
0x58: {  	_ =	shalt  }
0x59: {  	_ =	shalt  }
0x5a: {  	_ =	shalt  }
0x5b: {  	_ =	shalt  }
0x5c: {  	_ =	shalt  }
0x5d: {  	_ =	shalt  }
0x5e: {  	_ =	shalt  }
0x5f: {  	_ =	shalt  }
0x60: {  	_ =	shalt  }
0x61: {  	_ =	shalt  }
0x62: {  	_ =	shalt  }
0x63: {  	_ =	shalt  }
0x64: {  	_ =	shalt  }
0x65: {  	_ =	shalt  }
0x66: {  	_ =	shalt  }
0x67: {  	_ =	shalt  }
0x68: {  	_ =	shalt  }
0x69: {  	_ =	shalt  }
0x6a: {  	_ =	shalt  }
0x6b: {  	_ =	shalt  }
0x6c: {  	_ =	shalt  }
0x6d: {  	_ =	shalt  }
0x6e: {  	_ =	shalt  }
0x6f: {  	_ =	shalt  }
0x70: {  	_ =	shalt  }
0x71: {  	_ =	shalt  }
0x72: {  	_ =	shalt  }
0x73: {  	_ =	shalt  }
0x74: {  	_ =	shalt  }
0x75: {  	_ =	shalt  }
0x76: {  	_ =	shalt  }
0x77: {  	_ =	shalt  }
0x78: {  	_ =	shalt  }
0x79: {  	_ =	shalt  }
0x7a: {  	_ =	shalt  }
0x7b: {  	_ =	shalt  }
0x7c: {  	_ =	shalt  }
0x7d: {  	_ =	shalt  }
0x7e: {  	_ =	shalt  }
0x7f: {  	_ =	shalt  }
0x80: {  	_ =	shalt  }
0x81: {  	_ =	shalt  }
0x82: {  	_ =	shalt  }
0x83: {  	_ =	shalt  }
0x84: {  	_ =	shalt  }
0x85: {  	_ =	shalt  }
0x86: {  	_ =	shalt  }
0x87: {  	_ =	shalt  }
.Lfunc_end0:
.L_simem_size_0:
called_computation.1_lowered:
.L_overlay_start_0:
0x88: {  	s2 =	sld [smem:$0x3FD9]  }
0x89: {  	s3 =	sld [smem:$0x3FFE];
	_ =	sdelay $0x1  }
0x8a: {  	s1 =	srdreg.scid  }
0x8b: {  	s0 =	sand.u32 $0x1, s1  }
0x8c: {  	s14 =	sshll.u32 s0, $0xA;
	s2 =	sadd.s32 s3, s2  }
0x8d: {  	s2 =	sadd.s32 s2, s14  }
0x8e: {  	[smem:$0x3FB2] =	sst s2  }
0x8f: {  	_ = 	snop  }
0x90: {  	s2 =	sld [smem:$0x3FD0];
	_ =	sdelay $0x2  }
0x91: {  	s15 =	simm.s32 $0xA;
	s4 =	simm.s32 $0x10  }
0x92: {  	[smem:s4], [sflag:s15] =	dma.local [hbm:s2], $0x1  }
0x93: {  	_ =	swait.eq [sflag:s15], $0x1  }
0x94: {  	[sflag:s15] =	ssyncset.done $0x0  }
0x95: {  	[sflag:s15] =	ssyncadd.s32 $0xFFFFFFFF  }
0x96: {  	s16 =	sld [smem:$0x10];
	(tm) =	ssettm $0x1  }
0x97: {  	s17 =	sld [smem:$0x3FFB];
	_ =	sdelay $0x3  }
0x98: {  	_ =	strace s17  }
0x99: {  	s3 =	sld [smem:$0x3FFC];
	_ =	sdelay $0x3  }
0x9a: {  	_ =	strace s3  }
0x9b: {  	s3 =	sld [smem:$0x3FFD];
	_ =	sdelay $0x3  }
0x9c: {  	_ =	strace s3  }
0x9d: {  	_ =	strace $0x8FFFFFFF  }
0x9e: {  	s18 =	sld [smem:$0x3FDB];
	_ =	sdelay $0x1  }
0x9f: {  	s19 =	simm.s32 $_scs_section_size  }
0xa0: {  	s5 =	simm.s32 $_size__tile_overlayer_lowered;
	s6 =	simm.s32 $_tile_overlayer_lowered  }
0xa1: {  	s22 =	simm.s32 $0x1BFF;
	s21 =	sshll.u32 s6, $0x1;
	s3 =	sadd.s32 s19, s18  }
0xa2: {  	s7 =	simm.s32 $0x0;
	s20 =	sshll.u32 s5, $0x1;
	s5 =	sadd.s32 s21, s3  }
0xa3: {  	[timem:s7], [sflag:s22] =	dma.local [hbm:s5], s20  }
0xa4: {  	_ =	swait.ge [sflag:s22], s20  }
0xa5: {  	s4 =	ssub.s32 $0x0, s20;
	[sflag:s22] =	ssyncset.done $0x0  }
0xa6: {  	[sflag:s22] =	ssyncadd.s32 s4;
	_ =	sdelay $0x1  }
0xa7: {  	s23 =	simm.s32 $0x1B8B  }
0xa8: {  	_ =	swait.ge [sflag:s23], $0x1  }
0xa9: {  	[sflag:s23] =	ssyncset.done $0x0  }
0xaa: {  	s25 =	simm.s32 $0x1B8E;
	s24 =	sld [smem:$0x3FFE];
	[sflag:s23] =	ssyncadd.s32 $0xFFFFFFFF  }
0xab: {  	s26 =	simm.s32 $execute0_lowered;
	[smem:$0x3FD2] =	sst s25  }
0xac: {  	s5 =	sshll.u32 s26, $0x1;
	_ =	strace $0x80000049;
	[dreg:$0x1] =	wrdreg $0xFFFFFFFF  }
0xad: {  	s28 =	simm.s32 $_size_execute0_lowered;
	s3 =	sadd.s32 s3, s5;
	[dreg:$0x0] =	wrdreg $0x0  }
0xae: {  	s5 =	sshll.u32 s28, $0x1;
	[dreg:$0x2] =	wrdreg s3  }
0xaf: {  	[dreg:$0x3] =	wrdreg s5  }
0xb0: {  	[dreg:$0x4] =	wrdreg $0xC0  }
0xb1: {  	_ =	task [dreg:s7], $0x5FFFF  }
0xb2: {  	[dreg:$0x1] =	wrdreg $0xFFFFFFFF  }
0xb3: {  	[dreg:$0x0] =	wrdreg $0x60  }
0xb4: {  	[dreg:$0x2] =	wrdreg s24  }
0xb5: {  	[dreg:$0x3] =	wrdreg s16  }
0xb6: {  	[dreg:$0x4] =	wrdreg $0x9  }
0xb7: {  	_ =	task.clear_ibuf [dreg:s7], $0x5FFFF;
	_ =	strace $0x90000049  }
0xb8: {  	s29 =	simm.s32 $0x9;
	_ =	strace $0x8000004B  }
0xb9: {  	_ =	swait.ge [sflag:s29], $0x1  }
0xba: {  	[sflag:s29] =	ssyncadd.s32 $0xFFFFFFFF  }
0xbb: {  	_ =	strace $0x9000004B  }
0xbc: {  	_ =	sfence  }
0xbd: {  	s30 =	sld [smem:$0x0];
	_ =	sdelay $0x2  }
0xbe: {  	s31 =	sshll.u32 s1, $0xD;
	s1 =	sshrl.u32 s1, $0x2  }
0xbf: {  	s3 =	sand.u32 $0x4000, s31;
	s1 =	sadd.s32 s1, s30  }
0xc0: {  	s0 =	sor.u32 s3, s0;
	s1 =	sshll.u32 s1, $0x11  }
0xc1: {  	s0 =	sor.u32 s1, s0  }
0xc2: {  	s0 =	sadd.s32 $0x8F2B, s0  }
0xc3: {  	[sflag:s0] =	ssyncadd.remote.s32 $0x1  }
0xc4: {  	_ =	sfence.sel $0xFFFF  }
0xc5: {  	[dreg:$0x0] =	wrdreg $0xFFFFFFFF;
	(pc) =	sbr.abs _section_cstart, $3  }
0xc6: {  	[dreg:$0x1] =	wrdreg $0xFFFFFFFF  }
0xc7: {  	_ =	task.clear_ibuf [dreg:s7], $0x2FFFF;
	_ =	strace $0x9FFFFFFF  }
0xc8: {  	(tm) =	ssettm $0x7FFFFFFF  }
0xc9: {  	_ =	shalt  }
tec
execute0_lowered:
.L_overlay_start_1:
0x0: {  	(tag) =	ssettag $0x1  }
0x1: {  	s0 =	srdreg.scid;
	s1 =	rddreg [dreg:$0x0]  }
0x2: {  	s2 =	stileid.u32;
	s4 =	rddreg [dreg:$0x1];
	s10 =	simm.s32 $0x880  }
0x3: {  	s11 =	simm.s32 $0x1080;
	s12 =	simm.s32 $0x1880;
	s13 =	simm.s32 $0x2080  }
0x4: {  	s14 =	simm.s32 $0x2880;
	s15 =	simm.s32 $0x3080;
	s16 =	simm.s32 $0x3880  }
0x5: {  	s17 =	simm.s32 $0x4080;
	s18 =	simm.s32 $0x4880;
	s19 =	simm.s32 $0x5080  }
0x6: {  	s20 =	simm.s32 $0x5880;
	s21 =	simm.s32 $0x6080;
	s22 =	simm.s32 $0x6880  }
0x7: {  	s23 =	simm.s32 $0x7080;
	s28 =	simm.s32 $0x9080;
	s29 =	simm.s32 $0x9880  }
0x8: {  	s30 =	simm.s32 $0xA080;
	s31 =	simm.s32 $0xA880;
	s0 =	sand.u32 $0x1, s0  }
0x9: {  	s3 =	sshll.u32 s2, $0x4;
	s2 =	simm.s32 $0x0;
	s5 =	sshll.u32 s0, $0x3  }
0xa: {  	[smem:$0x7FF] =	sst s2;
	s0 =	ssub.s32 $0x2, s0;
	s3 =	sor.u32 s5, s3  }
0xb: {  	_ =	strace $0x8000004A;
	s24 =	sshrl.u32 s0, $0x1;
	s5 =	smul.u32 $0x300, s3  }
0xc: {  	s6 =	sadd.s32 s3, s1;
	s3 =	sadd.s32 $0x29F800, s1;
	s0 =	ssub.s32 s0, s24  }
0xd: {  	s24 =	simm.s32 $0x7880;
	s8 =	sadd.s32 $0x2400, s6;
	s25 =	sadd.s32 $0x2600, s6  }
0xe: {  	s6 =	smax.u32 s0, $0x1;
	s0 =	simm.s32 $0x1;
	[dreg:$0x3] =	wrdreg s8  }
0xf: {  	s7 =	sadd.s32 s5, s1;
	s4 =	sadd.s32 s4, s5;
	[dreg:$0x5] =	wrdreg s25  }
0x10: {  	v2 =	vlaneseq.u32;
	s5 =	sadd.s32 $0x29FA00, s1;
	s25 =	simm.s32 $0x8080;
	[dreg:$0x4] =	wrdreg s4  }
0x11: {  	vm0 =	vmmov $0xffff;
	v1 =	vshrl.u32 v2, $0x3;
	s26 =	sadd.s32 $0x2800, s7;
	s4 =	sadd.s32 $0x29F900, s1;
	s7 =	simm.s32 $0x2  }
0x12: {  	v0 =	vand.u32 $0x7, v2;
	v2 =	vor.u32 $0x8, v2;
	v1 =	vmul.u32 $0x8, v1;
	s1 =	simm.s32 $0x80;
	[dreg:$0x6] =	wrdreg s26;
	s26 =	simm.s32 $0x8880  }
.LBB2_1:
0x13: {  	s9 =	rddreg [dreg:$0x3]  }
0x14: {  	[tilespmem:s2], [sflag:$0x2] =	stream.linear.gather [hbm4b:s9+s2], $0x40, $0x38;
	[tilespmem:$0xC080] =	vst v63  }
0x15: {  	_ =	swait.ge [sflag:s7], $0x40  }
0x16: {  	[sflag:s7] =	ssyncset.done $0x0  }
0x17: {  	[sflag:s7] =	ssyncadd.s32 $0xFFFFFFC0  }
0x18: {  	v3 =	vld [tilespmem:$0x0];
	_ =	sdelay $0x4  }
0x19: {  	v4 =	vshrl.u32 v3, $0x3  }
0x1a: {  	v4 =	vmul.u32 $0x30, v4  }
0x1b: {  	v3 =	vand.u32 $0x7, v3  }
0x1c: {  	v3 =	vor.u32 v3, v4  }
0x1d: {  	v4 =	vperm.xlane v3, v0;
	_ =	sdelay $0x1  }
0x1e: {  	v4 =	vadd.s32 v1, v4;
	_ =	sdelay $0x3  }
0x1f: {  	v3 =	vperm.xlane v3, v2  }
0x20: {  	[tilespmem:s1], [sflag:$0x1] =	stream.indirect_vreg.gather [hbm4b:s3+s2], $0x80, v4, vm0, $0xb8;
	[tilespmem:$0xC080] =	vst v63  }
0x21: {  	v3 =	vadd.s32 v1, v3  }
0x22: {  	[tilespmem:s10], [sflag:$0x1] =	stream.indirect_vreg.gather [hbm4b:s4+s2], $0x80, v4, vm0, $0xb8;
	[tilespmem:$0xC080] =	vst v63  }
0x23: {  	_ = 	snop  }
0x24: {  	[tilespmem:s11], [sflag:$0x1] =	stream.indirect_vreg.gather [hbm4b:s5+s2], $0x80, v4, vm0, $0xb8;
	[tilespmem:$0xC080] =	vst v63  }
0x25: {  	_ = 	snop  }
0x26: {  	[tilespmem:s12], [sflag:$0x1] =	stream.indirect_vreg.gather [hbm4b:s3+s2], $0x80, v3, vm0, $0xb8;
	[tilespmem:$0xC080] =	vst v63  }
0x27: {  	_ = 	snop  }
0x28: {  	[tilespmem:s13], [sflag:$0x1] =	stream.indirect_vreg.gather [hbm4b:s4+s2], $0x80, v3, vm0, $0xb8;
	[tilespmem:$0xC080] =	vst v63  }
0x29: {  	_ = 	snop  }
0x2a: {  	[tilespmem:s14], [sflag:$0x1] =	stream.indirect_vreg.gather [hbm4b:s5+s2], $0x80, v3, vm0, $0xb8;
	[tilespmem:$0xC080] =	vst v63  }
0x2b: {  	v3 =	vld [tilespmem:$0x10];
	_ =	sdelay $0x4  }
0x2c: {  	v57 =	vshrl.u32 v3, $0x3  }
0x2d: {  	v4 =	vmul.u32 $0x30, v57  }
0x2e: {  	v3 =	vand.u32 $0x7, v3  }
0x2f: {  	v3 =	vor.u32 v3, v4  }
0x30: {  	v4 =	vperm.xlane v3, v0;
	_ =	sdelay $0x1  }
0x31: {  	v4 =	vadd.s32 v1, v4;
	_ =	sdelay $0x3  }
0x32: {  	v3 =	vperm.xlane v3, v2  }
0x33: {  	[tilespmem:s15], [sflag:$0x1] =	stream.indirect_vreg.gather [hbm4b:s3+s2], $0x80, v4, vm0, $0xb8;
	[tilespmem:$0xC080] =	vst v63  }
0x34: {  	v3 =	vadd.s32 v1, v3  }
0x35: {  	[tilespmem:s16], [sflag:$0x1] =	stream.indirect_vreg.gather [hbm4b:s4+s2], $0x80, v4, vm0, $0xb8;
	[tilespmem:$0xC080] =	vst v63  }
0x36: {  	_ = 	snop  }
0x37: {  	[tilespmem:s17], [sflag:$0x1] =	stream.indirect_vreg.gather [hbm4b:s5+s2], $0x80, v4, vm0, $0xb8;
	[tilespmem:$0xC080] =	vst v63  }
0x38: {  	_ = 	snop  }
0x39: {  	[tilespmem:s18], [sflag:$0x1] =	stream.indirect_vreg.gather [hbm4b:s3+s2], $0x80, v3, vm0, $0xb8;
	[tilespmem:$0xC080] =	vst v63  }
0x3a: {  	_ = 	snop  }
0x3b: {  	[tilespmem:s19], [sflag:$0x1] =	stream.indirect_vreg.gather [hbm4b:s4+s2], $0x80, v3, vm0, $0xb8;
	[tilespmem:$0xC080] =	vst v63  }
0x3c: {  	_ = 	snop  }
0x3d: {  	[tilespmem:s20], [sflag:$0x1] =	stream.indirect_vreg.gather [hbm4b:s5+s2], $0x80, v3, vm0, $0xb8;
	[tilespmem:$0xC080] =	vst v63  }
0x3e: {  	v3 =	vld [tilespmem:$0x20];
	_ =	sdelay $0x4  }
0x3f: {  	v58 =	vshrl.u32 v3, $0x3  }
0x40: {  	v4 =	vmul.u32 $0x30, v58  }
0x41: {  	v3 =	vand.u32 $0x7, v3  }
0x42: {  	v3 =	vor.u32 v3, v4  }
0x43: {  	v4 =	vperm.xlane v3, v0;
	_ =	sdelay $0x1  }
0x44: {  	v4 =	vadd.s32 v1, v4;
	_ =	sdelay $0x3  }
0x45: {  	v3 =	vperm.xlane v3, v2  }
0x46: {  	[tilespmem:s21], [sflag:$0x1] =	stream.indirect_vreg.gather [hbm4b:s3+s2], $0x80, v4, vm0, $0xb8;
	[tilespmem:$0xC080] =	vst v63  }
0x47: {  	v3 =	vadd.s32 v1, v3  }
0x48: {  	[tilespmem:s22], [sflag:$0x1] =	stream.indirect_vreg.gather [hbm4b:s4+s2], $0x80, v4, vm0, $0xb8;
	[tilespmem:$0xC080] =	vst v63  }
0x49: {  	_ = 	snop  }
0x4a: {  	[tilespmem:s23], [sflag:$0x1] =	stream.indirect_vreg.gather [hbm4b:s5+s2], $0x80, v4, vm0, $0xb8;
	[tilespmem:$0xC080] =	vst v63  }
0x4b: {  	_ = 	snop  }
0x4c: {  	[tilespmem:s24], [sflag:$0x1] =	stream.indirect_vreg.gather [hbm4b:s3+s2], $0x80, v3, vm0, $0xb8;
	[tilespmem:$0xC080] =	vst v63  }
0x4d: {  	_ = 	snop  }
0x4e: {  	[tilespmem:s25], [sflag:$0x1] =	stream.indirect_vreg.gather [hbm4b:s4+s2], $0x80, v3, vm0, $0xb8;
	[tilespmem:$0xC080] =	vst v63  }
0x4f: {  	_ = 	snop  }
0x50: {  	[tilespmem:s26], [sflag:$0x1] =	stream.indirect_vreg.gather [hbm4b:s5+s2], $0x80, v3, vm0, $0xb8;
	[tilespmem:$0xC080] =	vst v63  }
0x51: {  	v3 =	vld [tilespmem:$0x30];
	_ =	sdelay $0x4  }
0x52: {  	v59 =	vshrl.u32 v3, $0x3  }
0x53: {  	v4 =	vmul.u32 $0x30, v59  }
0x54: {  	v3 =	vand.u32 $0x7, v3  }
0x55: {  	v3 =	vor.u32 v3, v4  }
0x56: {  	v4 =	vperm.xlane v3, v0;
	_ =	sdelay $0x1  }
0x57: {  	v4 =	vadd.s32 v1, v4;
	_ =	sdelay $0x3  }
0x58: {  	v3 =	vperm.xlane v3, v2  }
0x59: {  	[tilespmem:s28], [sflag:$0x1] =	stream.indirect_vreg.gather [hbm4b:s3+s2], $0x80, v4, vm0, $0xb8;
	[tilespmem:$0xC080] =	vst v63  }
0x5a: {  	v3 =	vadd.s32 v1, v3  }
0x5b: {  	[tilespmem:s29], [sflag:$0x1] =	stream.indirect_vreg.gather [hbm4b:s4+s2], $0x80, v4, vm0, $0xb8;
	[tilespmem:$0xC080] =	vst v63  }
0x5c: {  	_ = 	snop  }
0x5d: {  	[tilespmem:s30], [sflag:$0x1] =	stream.indirect_vreg.gather [hbm4b:s5+s2], $0x80, v4, vm0, $0xb8;
	[tilespmem:$0xC080] =	vst v63  }
0x5e: {  	_ = 	snop  }
0x5f: {  	[tilespmem:s31], [sflag:$0x1] =	stream.indirect_vreg.gather [hbm4b:s3+s2], $0x80, v3, vm0, $0xb8;
	[tilespmem:$0xC080] =	vst v63  }
0x60: {  	s8 =	simm.s32 $0xB080  }
0x61: {  	[tilespmem:s8], [sflag:$0x1] =	stream.indirect_vreg.gather [hbm4b:s4+s2], $0x80, v3, vm0, $0xb8;
	[tilespmem:$0xC080] =	vst v63  }
0x62: {  	s8 =	simm.s32 $0xB880  }
0x63: {  	[tilespmem:s8], [sflag:$0x1] =	stream.indirect_vreg.gather [hbm4b:s5+s2], $0x80, v3, vm0, $0xb8;
	[tilespmem:$0xC080] =	vst v63  }
0x64: {  	_ =	swait.ge [sflag:s0], $0xC000  }
0x65: {  	[sflag:s0] =	ssyncset.done $0x0  }
0x66: {  	s9 =	rddreg [dreg:$0x4];
	[sflag:s0] =	ssyncadd.s32 $0xFFFF4000  }
0x67: {  	[hbm4b:s9+s2] =	stream.linear.scatter [tilespmem:s1], [sflag:$0x2], $0xC000, $0x38;
	[tilespmem:$0xC080] =	vst v63  }
0x68: {  	_ =	swait.ge [sflag:s7], $0xC000  }
0x69: {  	[sflag:s7] =	ssyncset.done $0x0  }
0x6a: {  	s9 =	rddreg [dreg:$0x5];
	[sflag:s7] =	ssyncadd.s32 $0xFFFF4000  }
0x6b: {  	[tilespmem:s2], [sflag:$0x2] =	stream.linear.gather [hbm4b:s9+s2], $0x40, $0x38;
	[tilespmem:$0xC080] =	vst v63  }
0x6c: {  	_ =	swait.ge [sflag:s7], $0x40  }
0x6d: {  	[sflag:s7] =	ssyncset.done $0x0  }
0x6e: {  	[sflag:s7] =	ssyncadd.s32 $0xFFFFFFC0  }
0x6f: {  	v3 =	vld [tilespmem:$0x0];
	_ =	sdelay $0x4  }
0x70: {  	v60 =	vshrl.u32 v3, $0x3  }
0x71: {  	v4 =	vmul.u32 $0x30, v60  }
0x72: {  	v3 =	vand.u32 $0x7, v3  }
0x73: {  	v3 =	vor.u32 v3, v4  }
0x74: {  	v4 =	vperm.xlane v3, v0;
	_ =	sdelay $0x1  }
0x75: {  	v4 =	vadd.s32 v1, v4;
	_ =	sdelay $0x3  }
0x76: {  	v3 =	vperm.xlane v3, v2  }
0x77: {  	[tilespmem:s1], [sflag:$0x1] =	stream.indirect_vreg.gather [hbm4b:s3+s2], $0x80, v4, vm0, $0xb8;
	[tilespmem:$0xC080] =	vst v63  }
0x78: {  	v3 =	vadd.s32 v1, v3  }
0x79: {  	[tilespmem:s10], [sflag:$0x1] =	stream.indirect_vreg.gather [hbm4b:s4+s2], $0x80, v4, vm0, $0xb8;
	[tilespmem:$0xC080] =	vst v63  }
0x7a: {  	_ = 	snop  }
0x7b: {  	[tilespmem:s11], [sflag:$0x1] =	stream.indirect_vreg.gather [hbm4b:s5+s2], $0x80, v4, vm0, $0xb8;
	[tilespmem:$0xC080] =	vst v63  }
0x7c: {  	_ = 	snop  }
0x7d: {  	[tilespmem:s12], [sflag:$0x1] =	stream.indirect_vreg.gather [hbm4b:s3+s2], $0x80, v3, vm0, $0xb8;
	[tilespmem:$0xC080] =	vst v63  }
0x7e: {  	_ = 	snop  }
0x7f: {  	[tilespmem:s13], [sflag:$0x1] =	stream.indirect_vreg.gather [hbm4b:s4+s2], $0x80, v3, vm0, $0xb8;
	[tilespmem:$0xC080] =	vst v63  }
0x80: {  	_ = 	snop  }
0x81: {  	[tilespmem:s14], [sflag:$0x1] =	stream.indirect_vreg.gather [hbm4b:s5+s2], $0x80, v3, vm0, $0xb8;
	[tilespmem:$0xC080] =	vst v63  }
0x82: {  	v3 =	vld [tilespmem:$0x10];
	_ =	sdelay $0x4  }
0x83: {  	v61 =	vshrl.u32 v3, $0x3  }
0x84: {  	v4 =	vmul.u32 $0x30, v61  }
0x85: {  	v3 =	vand.u32 $0x7, v3  }
0x86: {  	v3 =	vor.u32 v3, v4  }
0x87: {  	v4 =	vperm.xlane v3, v0;
	_ =	sdelay $0x1  }
0x88: {  	v4 =	vadd.s32 v1, v4;
	_ =	sdelay $0x3  }
0x89: {  	v3 =	vperm.xlane v3, v2  }
0x8a: {  	[tilespmem:s15], [sflag:$0x1] =	stream.indirect_vreg.gather [hbm4b:s3+s2], $0x80, v4, vm0, $0xb8;
	[tilespmem:$0xC080] =	vst v63  }
0x8b: {  	v3 =	vadd.s32 v1, v3  }
0x8c: {  	[tilespmem:s16], [sflag:$0x1] =	stream.indirect_vreg.gather [hbm4b:s4+s2], $0x80, v4, vm0, $0xb8;
	[tilespmem:$0xC080] =	vst v63  }
0x8d: {  	_ = 	snop  }
0x8e: {  	[tilespmem:s17], [sflag:$0x1] =	stream.indirect_vreg.gather [hbm4b:s5+s2], $0x80, v4, vm0, $0xb8;
	[tilespmem:$0xC080] =	vst v63  }
0x8f: {  	_ = 	snop  }
0x90: {  	[tilespmem:s18], [sflag:$0x1] =	stream.indirect_vreg.gather [hbm4b:s3+s2], $0x80, v3, vm0, $0xb8;
	[tilespmem:$0xC080] =	vst v63  }
0x91: {  	_ = 	snop  }
0x92: {  	[tilespmem:s19], [sflag:$0x1] =	stream.indirect_vreg.gather [hbm4b:s4+s2], $0x80, v3, vm0, $0xb8;
	[tilespmem:$0xC080] =	vst v63  }
0x93: {  	_ = 	snop  }
0x94: {  	[tilespmem:s20], [sflag:$0x1] =	stream.indirect_vreg.gather [hbm4b:s5+s2], $0x80, v3, vm0, $0xb8;
	[tilespmem:$0xC080] =	vst v63  }
0x95: {  	v3 =	vld [tilespmem:$0x20];
	_ =	sdelay $0x4  }
0x96: {  	v62 =	vshrl.u32 v3, $0x3  }
0x97: {  	v4 =	vmul.u32 $0x30, v62  }
0x98: {  	v3 =	vand.u32 $0x7, v3  }
0x99: {  	v3 =	vor.u32 v3, v4  }
0x9a: {  	v4 =	vperm.xlane v3, v0;
	_ =	sdelay $0x1  }
0x9b: {  	v4 =	vadd.s32 v1, v4;
	_ =	sdelay $0x3  }
0x9c: {  	v3 =	vperm.xlane v3, v2  }
0x9d: {  	[tilespmem:s21], [sflag:$0x1] =	stream.indirect_vreg.gather [hbm4b:s3+s2], $0x80, v4, vm0, $0xb8;
	[tilespmem:$0xC080] =	vst v63  }
0x9e: {  	v3 =	vadd.s32 v1, v3  }
0x9f: {  	[tilespmem:s22], [sflag:$0x1] =	stream.indirect_vreg.gather [hbm4b:s4+s2], $0x80, v4, vm0, $0xb8;
	[tilespmem:$0xC080] =	vst v63  }
0xa0: {  	_ = 	snop  }
0xa1: {  	[tilespmem:s23], [sflag:$0x1] =	stream.indirect_vreg.gather [hbm4b:s5+s2], $0x80, v4, vm0, $0xb8;
	[tilespmem:$0xC080] =	vst v63  }
0xa2: {  	_ = 	snop  }
0xa3: {  	[tilespmem:s24], [sflag:$0x1] =	stream.indirect_vreg.gather [hbm4b:s3+s2], $0x80, v3, vm0, $0xb8;
	[tilespmem:$0xC080] =	vst v63  }
0xa4: {  	_ = 	snop  }
0xa5: {  	[tilespmem:s25], [sflag:$0x1] =	stream.indirect_vreg.gather [hbm4b:s4+s2], $0x80, v3, vm0, $0xb8;
	[tilespmem:$0xC080] =	vst v63  }
0xa6: {  	_ = 	snop  }
0xa7: {  	[tilespmem:s26], [sflag:$0x1] =	stream.indirect_vreg.gather [hbm4b:s5+s2], $0x80, v3, vm0, $0xb8;
	[tilespmem:$0xC080] =	vst v63  }
0xa8: {  	v3 =	vld [tilespmem:$0x30];
	_ =	sdelay $0x4  }
0xa9: {  	v63 =	vshrl.u32 v3, $0x3  }
0xaa: {  	v4 =	vmul.u32 $0x30, v63  }
0xab: {  	v3 =	vand.u32 $0x7, v3  }
0xac: {  	v3 =	vor.u32 v3, v4  }
0xad: {  	v4 =	vperm.xlane v3, v0;
	_ =	sdelay $0x1  }
0xae: {  	v4 =	vadd.s32 v1, v4;
	_ =	sdelay $0x3  }
0xaf: {  	v3 =	vperm.xlane v3, v2  }
0xb0: {  	[tilespmem:s28], [sflag:$0x1] =	stream.indirect_vreg.gather [hbm4b:s3+s2], $0x80, v4, vm0, $0xb8;
	[tilespmem:$0xC080] =	vst v63  }
0xb1: {  	v3 =	vadd.s32 v1, v3  }
0xb2: {  	[tilespmem:s29], [sflag:$0x1] =	stream.indirect_vreg.gather [hbm4b:s4+s2], $0x80, v4, vm0, $0xb8;
	[tilespmem:$0xC080] =	vst v63  }
0xb3: {  	_ = 	snop  }
0xb4: {  	[tilespmem:s30], [sflag:$0x1] =	stream.indirect_vreg.gather [hbm4b:s5+s2], $0x80, v4, vm0, $0xb8;
	[tilespmem:$0xC080] =	vst v63  }
0xb5: {  	_ = 	snop  }
0xb6: {  	[tilespmem:s31], [sflag:$0x1] =	stream.indirect_vreg.gather [hbm4b:s3+s2], $0x80, v3, vm0, $0xb8;
	[tilespmem:$0xC080] =	vst v63  }
0xb7: {  	s9 =	simm.s32 $0xB080  }
0xb8: {  	[tilespmem:s9], [sflag:$0x1] =	stream.indirect_vreg.gather [hbm4b:s4+s2], $0x80, v3, vm0, $0xb8;
	[tilespmem:$0xC080] =	vst v63  }
0xb9: {  	_ = 	snop  }
0xba: {  	[tilespmem:s8], [sflag:$0x1] =	stream.indirect_vreg.gather [hbm4b:s5+s2], $0x80, v3, vm0, $0xb8;
	[tilespmem:$0xC080] =	vst v63  }
0xbb: {  	_ =	swait.ge [sflag:s0], $0xC000  }
0xbc: {  	p0 =	sne.s32 s6, $0x1;
	[sflag:s0] =	ssyncset.done $0x0  }
.Ltmp0:
0xbd: {  	s8 =	rddreg [dreg:$0x6];
	[sflag:s0] =	ssyncadd.s32 $0xFFFF4000;
	(pc) =	sbr.rel @p0 .LBB2_1-.Ltmp0, $4  }
0xbe: {  	[hbm4b:s8+s2] =	stream.linear.scatter [tilespmem:s1], [sflag:$0x2], $0xC000, $0x38;
	[tilespmem:$0xC080] =	vst v63  }
0xbf: {  	_ =	swait.ge [sflag:s7], $0xC000  }
0xc0: {  	[sflag:s7] =	ssyncset.done $0x0  }
0xc1: {  	s6 =	sadd.s32 $0xFFFFFFFF, s6;
	[sflag:s7] =	ssyncadd.s32 $0xFFFF4000  }
0xc2: {  	_ =	sfence.sel $0x180000  }
0xc3: {  	[bflag:$0x0] =	sbarrier.arrive $0xFFFF  }
0xc4: {  	_ =	strace $0x9000004A  }
0xc5: {  	s0 =	stileid.u32;
	[bflag:$0x2] =	sbarrier.arrive $0xFFFF  }
0xc6: {  	p0 =	sne.s32 s0, $0x0;
	s0 =	rddreg [dreg:$0x2]  }
0xc7: {  	s0 =	sadd.s32 @!p0 $0x100000, s0  }
0xc8: {  	[sflag:s0] =	ssyncadd.tile.s32 @!p0 $0x1;
	_ =	shalt  }
.Lfunc_end2:
_tile_overlayer_lowered:
.L_overlay_start_2:
0xc9: {  	(tag) =	ssettag $0x2  }
0xca: {  	s0 =	rddreg [dreg:$0x0];
	s2 =	stileid.u32  }
0xcb: {  	s1 =	rddreg [dreg:$0x1];
	p0 =	sne.s32 s2, $0x0  }
0xcc: {  	s3 =	rddreg [dreg:$0x2];
	[bflag:$0x3] =	sbarrier.arrive $0xFFFF;
	s2 =	simm.s32 @!p0 $0x1C02  }
0xcd: {  	[timem:s3], [sflag:s2] =	dma.local @!p0 [hbm:s0], s1  }
0xce: {  	s0 =	simm.s32 @!p0 $0x2  }
0xcf: {  	_ =	swait.ge @!p0 [sflag:s0], s1  }
0xd0: {  	s1 =	ssub.s32 @!p0 $0x0, s1;
	[sflag:s0] =	ssyncset.done @!p0 $0x0  }
0xd1: {  	[sflag:s0] =	ssyncadd.s32 @!p0 s1  }
0xd2: {  	[bflag:$0x3] =	sbarrier.arrive $0xFFFF  }
0xd3: {  	_ =	shalt  }

// kernel: kernel.8.cloned.1.call-start
scs
__scs_entry_jumppad:
0x0: {  	(pc) =	sbr.rel $0x88, $3  }
0x1: {  	(tag) =	ssettag $0x0;
	lr =	simm.s32 $0x1  }
0x2: {  	[smem:$0x3F8B] =	sst lr;
	_ =	strace $0xD0000000  }
0x3: {  	_ = 	snop  }
0x4: {  	_ = 	snop  }
0x5: {  	_ = 	snop  }
0x6: {  	_ = 	snop  }
0x7: {  	_ = 	snop  }
__scs_overlays_trampoline_lowered:
0x8: {  	[smem:$0x3F9A] =	sst s0  }
0x9: {  	[smem:$0x3F9B] =	sst s1  }
0xa: {  	[smem:$0x3F9C] =	sst s2  }
0xb: {  	[smem:$0x3F9D] =	sst s3  }
0xc: {  	[smem:$0x3F9E] =	sst s4  }
0xd: {  	[smem:$0x3F9F] =	sst s5  }
0xe: {  	[smem:$0x3FA0] =	sst s6  }
0xf: {  	[smem:$0x3FA1] =	sst s7  }
0x10: {  	[smem:$0x3FA2] =	sst s8  }
0x11: {  	[smem:$0x3FA3] =	sst s9;
	s0 =	simm.s32 @!p0 $0x0  }
0x12: {  	s1 =	sld [smem:$0x3F89];
	s0 =	simm.s32 @p0 $0x1  }
0x13: {  	[smem:$0x3FA4] =	sst s0;
	s0 =	simm.s32 @!p1 $0x0  }
0x14: {  	s2 =	sld [smem:$0x3F88];
	s0 =	simm.s32 @p1 $0x1  }
0x15: {  	[smem:$0x3FA5] =	sst s0;
	s0 =	simm.s32 @!p2 $0x0  }
0x16: {  	s3 =	sld [smem:$0x3FDB];
	s0 =	simm.s32 @p2 $0x1  }
0x17: {  	s4 =	simm.s32 $0x1BF5;
	[smem:$0x3FA7] =	sst s0  }
0x18: {  	s0 =	sld [smem:$0x3F8A];
	_ =	swait.ge [sflag:s4], $0x0  }
0x19: {  	s7 =	sld [smem:$0x3F8B]  }
0x1a: {  	s8 =	sadd.s32 $0xFFFFE003, lr  }
0x1b: {  	s9 =	sadd.s32 $0xFFFFFEF7, lr;
	s5 =	simm.s32 $0xFFFFFFFF;
	p2 =	slt.u32 s8, $0xFFFFF086  }
0x1c: {  	p1 =	slt.u32 s9, $0xF7A;
	s5 =	simm.s32 @!p2 $0x0  }
0x1d: {  	s5 =	simm.s32 @p1 $0x1;
	p0 =	seq.s32 s7, s2  }
0x1e: {  	s7 =	smul.u32 @!p0 $0xF7A, s2;
	p2 =	seq.s32 @!p0 s5, $0x0  }
0x1f: {  	s9 =	smul.u32 $0xF7A, s1;
	s8 =	simm.s32 @!p0 $0x1BF5;
	p2 =	por !p2, p0  }
0x20: {  	[sflag:s8] =	ssyncset.s32 @!p0 $0xFFFFF086;
	s6 =	sadd.s32 @!p0 s3, s7;
	s7 =	simm.s32 @!p0 $0x108  }
0x21: {  	s3 =	sadd.s32 s3, s9;
	s6 =	sadd.s32 @!p0 $0x88, s6;
	s7 =	simm.s32 @p2 $0x1082  }
0x22: {  	[simem:s7], [sflag:s8] =	dma.local @!p0 [hbm:s6], $0xF7A  }
0x23: {  	s9 =	sor.u32 $0xD0000000, s2;
	s6 =	simm.s32 $0x108;
	_ =	swait.ge @!p0 [sflag:s8], $0x0  }
0x24: {  	s3 =	sadd.s32 $0x88, s3;
	s6 =	simm.s32 @!p1 $0x1082;
	[sflag:s4] =	ssyncset.s32 $0xFFFFF086  }
0x25: {  	[simem:s6], [sflag:s4] =	dma.local [hbm:s3], $0xF7A  }
0x26: {  	[smem:$0x3F8B] =	sst s1;
	(tag) =	ssettag s2;
	_ =	strace s9  }
0x27: {  	s1 =	sld [smem:$0x3F9B]  }
0x28: {  	s2 =	sld [smem:$0x3F9C]  }
0x29: {  	s4 =	sld [smem:$0x3F9E]  }
0x2a: {  	p0 =	seq.s32 s5, $0x0;
	s5 =	sld [smem:$0x3F9F]  }
0x2b: {  	s6 =	sld [smem:$0x3FA0]  }
0x2c: {  	s7 =	sld [smem:$0x3FA1]  }
0x2d: {  	s3 =	simm.s32 $0x108;
	s8 =	sld [smem:$0x3FA2]  }
0x2e: {  	s3 =	simm.s32 @!p0 $0x1082;
	s9 =	sld [smem:$0x3FA3]  }
0x2f: {  	lr =	sadd.s32 s0, s3;
	s0 =	sld [smem:$0x3F9A]  }
0x30: {  	s3 =	sld [smem:$0x3F9D]  }
0x31: {  	[smem:$0x3FA6] =	sst s10  }
0x32: {  	s10 =	sld [smem:$0x3FA4];
	_ =	sdelay $0x3  }
0x33: {  	p0 =	seq.s32 s10, $0x1;
	s10 =	sld [smem:$0x3FA6];
	_ =	sdelay $0x3  }
0x34: {  	[smem:$0x3FA6] =	sst s10  }
0x35: {  	s10 =	sld [smem:$0x3FA5];
	_ =	sdelay $0x3  }
0x36: {  	p1 =	seq.s32 s10, $0x1;
	s10 =	sld [smem:$0x3FA6];
	_ =	sdelay $0x3  }
0x37: {  	[smem:$0x3FA6] =	sst s10  }
0x38: {  	s10 =	sld [smem:$0x3FA7]  }
0x39: {  	_ = 	snop;
	(pc) =	sbr.ind lr, $3  }
0x3a: {  	_ = 	snop  }
0x3b: {  	_ = 	snop  }
0x3c: {  	p2 =	seq.s32 s10, $0x1;
	s10 =	sld [smem:$0x3FA6]  }
0x3d: {  	_ =	shalt  }
0x3e: {  	_ =	shalt  }
0x3f: {  	_ =	shalt  }
0x40: {  	_ =	shalt  }
0x41: {  	_ =	shalt  }
0x42: {  	_ =	shalt  }
0x43: {  	_ =	shalt  }
0x44: {  	_ =	shalt  }
0x45: {  	_ =	shalt  }
0x46: {  	_ =	shalt  }
0x47: {  	_ =	shalt  }
0x48: {  	_ =	shalt  }
0x49: {  	_ =	shalt  }
0x4a: {  	_ =	shalt  }
0x4b: {  	_ =	shalt  }
0x4c: {  	_ =	shalt  }
0x4d: {  	_ =	shalt  }
0x4e: {  	_ =	shalt  }
0x4f: {  	_ =	shalt  }
0x50: {  	_ =	shalt  }
0x51: {  	_ =	shalt  }
0x52: {  	_ =	shalt  }
0x53: {  	_ =	shalt  }
0x54: {  	_ =	shalt  }
0x55: {  	_ =	shalt  }
0x56: {  	_ =	shalt  }
0x57: {  	_ =	shalt  }
0x58: {  	_ =	shalt  }
0x59: {  	_ =	shalt  }
0x5a: {  	_ =	shalt  }
0x5b: {  	_ =	shalt  }
0x5c: {  	_ =	shalt  }
0x5d: {  	_ =	shalt  }
0x5e: {  	_ =	shalt  }
0x5f: {  	_ =	shalt  }
0x60: {  	_ =	shalt  }
0x61: {  	_ =	shalt  }
0x62: {  	_ =	shalt  }
0x63: {  	_ =	shalt  }
0x64: {  	_ =	shalt  }
0x65: {  	_ =	shalt  }
0x66: {  	_ =	shalt  }
0x67: {  	_ =	shalt  }
0x68: {  	_ =	shalt  }
0x69: {  	_ =	shalt  }
0x6a: {  	_ =	shalt  }
0x6b: {  	_ =	shalt  }
0x6c: {  	_ =	shalt  }
0x6d: {  	_ =	shalt  }
0x6e: {  	_ =	shalt  }
0x6f: {  	_ =	shalt  }
0x70: {  	_ =	shalt  }
0x71: {  	_ =	shalt  }
0x72: {  	_ =	shalt  }
0x73: {  	_ =	shalt  }
0x74: {  	_ =	shalt  }
0x75: {  	_ =	shalt  }
0x76: {  	_ =	shalt  }
0x77: {  	_ =	shalt  }
0x78: {  	_ =	shalt  }
0x79: {  	_ =	shalt  }
0x7a: {  	_ =	shalt  }
0x7b: {  	_ =	shalt  }
0x7c: {  	_ =	shalt  }
0x7d: {  	_ =	shalt  }
0x7e: {  	_ =	shalt  }
0x7f: {  	_ =	shalt  }
0x80: {  	_ =	shalt  }
0x81: {  	_ =	shalt  }
0x82: {  	_ =	shalt  }
0x83: {  	_ =	shalt  }
0x84: {  	_ =	shalt  }
0x85: {  	_ =	shalt  }
0x86: {  	_ =	shalt  }
0x87: {  	_ =	shalt  }
.Lfunc_end0:
.L_simem_size_0:
called_computation_lowered:
.L_overlay_start_0:
0x88: {  	s2 =	sld [smem:$0x3FD9]  }
0x89: {  	s3 =	sld [smem:$0x3FFE];
	_ =	sdelay $0x1  }
0x8a: {  	s1 =	srdreg.scid  }
0x8b: {  	s0 =	sand.u32 $0x1, s1  }
0x8c: {  	s17 =	sshll.u32 s0, $0xA;
	s2 =	sadd.s32 s3, s2  }
0x8d: {  	s2 =	sadd.s32 s2, s17  }
0x8e: {  	[smem:$0x3FB2] =	sst s2  }
0x8f: {  	_ = 	snop  }
0x90: {  	s2 =	sld [smem:$0x3FC9];
	(tm) =	ssettm $0x1  }
0x91: {  	s18 =	sld [smem:$0x3FFB];
	_ =	sdelay $0x3  }
0x92: {  	_ =	strace s18  }
0x93: {  	s3 =	sld [smem:$0x3FFC];
	_ =	sdelay $0x3  }
0x94: {  	_ =	strace s3  }
0x95: {  	s3 =	sld [smem:$0x3FFD];
	_ =	sdelay $0x3  }
0x96: {  	_ =	strace s3  }
0x97: {  	_ =	strace $0x8FFFFFFF  }
0x98: {  	s19 =	sld [smem:$0x3FDB];
	_ =	sdelay $0x1  }
0x99: {  	s4 =	simm.s32 $_scs_section_size  }
0x9a: {  	s5 =	simm.s32 $_size__tile_overlayer_lowered;
	s6 =	simm.s32 $_tile_overlayer_lowered  }
0x9b: {  	s22 =	simm.s32 $0x1BFF;
	s21 =	sshll.u32 s6, $0x1;
	s3 =	sadd.s32 s4, s19  }
0x9c: {  	s7 =	simm.s32 $0x0;
	s20 =	sshll.u32 s5, $0x1;
	s5 =	sadd.s32 s21, s3  }
0x9d: {  	[timem:s7], [sflag:s22] =	dma.local [hbm:s5], s20  }
0x9e: {  	_ =	swait.ge [sflag:s22], s20  }
0x9f: {  	s4 =	ssub.s32 $0x0, s20;
	[sflag:s22] =	ssyncset.done $0x0  }
0xa0: {  	[sflag:s22] =	ssyncadd.s32 s4;
	_ =	sdelay $0x1  }
0xa1: {  	s23 =	simm.s32 $0x1B8B  }
0xa2: {  	_ =	swait.ge [sflag:s23], $0x1  }
0xa3: {  	[sflag:s23] =	ssyncset.done $0x0  }
0xa4: {  	s25 =	simm.s32 $0x1B8E;
	s24 =	sld [smem:$0x3FFE];
	[sflag:s23] =	ssyncadd.s32 $0xFFFFFFFF  }
0xa5: {  	s26 =	simm.s32 $execute0_lowered;
	[smem:$0x3FD2] =	sst s25  }
0xa6: {  	s5 =	sshll.u32 s26, $0x1;
	_ =	strace $0x80000046;
	[dreg:$0x1] =	wrdreg $0xFFFFFFFF  }
0xa7: {  	s28 =	simm.s32 $_size_execute0_lowered;
	s3 =	sadd.s32 s3, s5;
	[dreg:$0x0] =	wrdreg $0x0  }
0xa8: {  	s5 =	sshll.u32 s28, $0x1;
	[dreg:$0x2] =	wrdreg s3  }
0xa9: {  	[dreg:$0x3] =	wrdreg s5  }
0xaa: {  	[dreg:$0x4] =	wrdreg $0xC0  }
0xab: {  	_ =	task [dreg:s7], $0x5FFFF  }
0xac: {  	[dreg:$0x1] =	wrdreg $0xFFFFFFFF  }
0xad: {  	[dreg:$0x0] =	wrdreg $0x60  }
0xae: {  	[dreg:$0x2] =	wrdreg s2  }
0xaf: {  	[dreg:$0x3] =	wrdreg s24  }
0xb0: {  	[dreg:$0x4] =	wrdreg $0x9  }
0xb1: {  	_ =	task.clear_ibuf [dreg:s7], $0x5FFFF;
	_ =	strace $0x90000046  }
0xb2: {  	s29 =	simm.s32 $0x9;
	_ =	strace $0x80000048  }
0xb3: {  	_ =	swait.ge [sflag:s29], $0x1  }
0xb4: {  	[sflag:s29] =	ssyncadd.s32 $0xFFFFFFFF  }
0xb5: {  	_ =	strace $0x90000048  }
0xb6: {  	_ =	sfence  }
0xb7: {  	s30 =	sld [smem:$0x0];
	_ =	sdelay $0x2  }
0xb8: {  	s31 =	sshll.u32 s1, $0xD;
	s1 =	sshrl.u32 s1, $0x2  }
0xb9: {  	s3 =	sand.u32 $0x4000, s31;
	s1 =	sadd.s32 s1, s30  }
0xba: {  	s0 =	sor.u32 s3, s0;
	s1 =	sshll.u32 s1, $0x11  }
0xbb: {  	s0 =	sor.u32 s1, s0  }
0xbc: {  	s0 =	sadd.s32 $0x8F2B, s0  }
0xbd: {  	[sflag:s0] =	ssyncadd.remote.s32 $0x1  }
0xbe: {  	_ =	sfence.sel $0xFFFF  }
0xbf: {  	[dreg:$0x0] =	wrdreg $0xFFFFFFFF;
	(pc) =	sbr.abs _section_cstart, $3  }
0xc0: {  	[dreg:$0x1] =	wrdreg $0xFFFFFFFF  }
0xc1: {  	_ =	task.clear_ibuf [dreg:s7], $0x2FFFF;
	_ =	strace $0x9FFFFFFF  }
0xc2: {  	(tm) =	ssettm $0x7FFFFFFF  }
0xc3: {  	_ =	shalt  }
tec
execute0_lowered:
.L_overlay_start_1:
0x0: {  	(tag) =	ssettag $0x1  }
0x1: {  	s0 =	srdreg.scid;
	s1 =	rddreg [dreg:$0x0]  }
0x2: {  	s2 =	stileid.u32;
	s5 =	rddreg [dreg:$0x1]  }
0x3: {  	s8 =	simm.s32 $0x2;
	s10 =	simm.s32 $0x880;
	s11 =	simm.s32 $0x1080  }
0x4: {  	s12 =	simm.s32 $0x1880;
	s13 =	simm.s32 $0x2080;
	s14 =	simm.s32 $0x2880  }
0x5: {  	s15 =	simm.s32 $0x3080;
	s16 =	simm.s32 $0x3880;
	s17 =	simm.s32 $0x4080  }
0x6: {  	s18 =	simm.s32 $0x4880;
	s19 =	simm.s32 $0x5080;
	s20 =	simm.s32 $0x5880  }
0x7: {  	s21 =	simm.s32 $0x6080;
	s22 =	simm.s32 $0x6880;
	s23 =	simm.s32 $0x7080  }
0x8: {  	s28 =	simm.s32 $0x9080;
	s29 =	simm.s32 $0x9880;
	s30 =	simm.s32 $0xA080  }
0x9: {  	s0 =	sand.u32 $0x1, s0;
	s3 =	sshll.u32 s2, $0x4;
	s2 =	simm.s32 $0x0  }
0xa: {  	s31 =	simm.s32 $0xA880;
	s4 =	sshll.u32 s0, $0x3;
	[smem:$0x7FF] =	sst s2  }
0xb: {  	s0 =	ssub.s32 $0x2, s0;
	s3 =	sor.u32 s4, s3;
	_ =	strace $0x80000047  }
0xc: {  	s24 =	sshrl.u32 s0, $0x1;
	s4 =	smul.u32 $0x300, s3;
	s6 =	sadd.s32 s3, s5  }
0xd: {  	s3 =	sadd.s32 $0x2800, s5;
	s0 =	ssub.s32 s0, s24;
	s24 =	simm.s32 $0x7880  }
0xe: {  	s25 =	sadd.s32 $0x2400, s6;
	s26 =	sadd.s32 $0x2600, s6;
	s6 =	smax.u32 s0, $0x1  }
0xf: {  	v2 =	vlaneseq.u32;
	s1 =	sadd.s32 s1, s4;
	[dreg:$0x4] =	wrdreg s25;
	s4 =	sadd.s32 $0x2900, s5  }
0x10: {  	vm0 =	vmmov $0xffff;
	v1 =	vshrl.u32 v2, $0x3;
	s5 =	sadd.s32 $0x2A00, s5;
	[dreg:$0x5] =	wrdreg s26;
	s25 =	simm.s32 $0x8080  }
0x11: {  	v0 =	vand.u32 $0x7, v2;
	v2 =	vor.u32 $0x8, v2;
	v1 =	vmul.u32 $0x8, v1;
	s26 =	simm.s32 $0x8880;
	[dreg:$0x3] =	wrdreg s1;
	s1 =	simm.s32 $0x1  }
.LBB2_1:
0x12: {  	s9 =	rddreg [dreg:$0x3];
	s0 =	simm.s32 $0x80  }
0x13: {  	[tilespmem:s0], [sflag:$0x2] =	stream.linear.gather [hbm4b:s9+s2], $0xC000, $0x38;
	[tilespmem:$0xC080] =	vst v63  }
0x14: {  	_ =	swait.ge [sflag:s8], $0xC000  }
0x15: {  	[sflag:s8] =	ssyncset.done $0x0  }
0x16: {  	s7 =	rddreg [dreg:$0x4];
	[sflag:s8] =	ssyncadd.s32 $0xFFFF4000  }
0x17: {  	[tilespmem:s2], [sflag:$0x2] =	stream.linear.gather [hbm4b:s7+s2], $0x40, $0x38;
	[tilespmem:$0xC080] =	vst v63  }
0x18: {  	_ =	swait.ge [sflag:s8], $0x40  }
0x19: {  	[sflag:s8] =	ssyncset.done $0x0  }
0x1a: {  	[sflag:s8] =	ssyncadd.s32 $0xFFFFFFC0  }
0x1b: {  	v3 =	vld [tilespmem:$0x0];
	_ =	sdelay $0x4  }
0x1c: {  	v4 =	vshrl.u32 v3, $0x3  }
0x1d: {  	v4 =	vmul.u32 $0x30, v4  }
0x1e: {  	v3 =	vand.u32 $0x7, v3  }
0x1f: {  	v3 =	vor.u32 v3, v4  }
0x20: {  	v4 =	vperm.xlane v3, v0;
	_ =	sdelay $0x1  }
0x21: {  	v4 =	vadd.s32 v1, v4;
	_ =	sdelay $0x3  }
0x22: {  	v3 =	vperm.xlane v3, v2  }
0x23: {  	[hbm4b:s3+s2] =	stream.indirect_vreg.scatter [tilespmem:s0], [sflag:$0x1], $0x80, v4, vm0, $0xb8;
	[tilespmem:$0xC080] =	vst v63  }
0x24: {  	v3 =	vadd.s32 v1, v3  }
0x25: {  	[hbm4b:s4+s2] =	stream.indirect_vreg.scatter [tilespmem:s10], [sflag:$0x1], $0x80, v4, vm0, $0xb8;
	[tilespmem:$0xC080] =	vst v63  }
0x26: {  	_ = 	snop  }
0x27: {  	[hbm4b:s5+s2] =	stream.indirect_vreg.scatter [tilespmem:s11], [sflag:$0x1], $0x80, v4, vm0, $0xb8;
	[tilespmem:$0xC080] =	vst v63  }
0x28: {  	_ = 	snop  }
0x29: {  	[hbm4b:s3+s2] =	stream.indirect_vreg.scatter [tilespmem:s12], [sflag:$0x1], $0x80, v3, vm0, $0xb8;
	[tilespmem:$0xC080] =	vst v63  }
0x2a: {  	_ = 	snop  }
0x2b: {  	[hbm4b:s4+s2] =	stream.indirect_vreg.scatter [tilespmem:s13], [sflag:$0x1], $0x80, v3, vm0, $0xb8;
	[tilespmem:$0xC080] =	vst v63  }
0x2c: {  	_ = 	snop  }
0x2d: {  	[hbm4b:s5+s2] =	stream.indirect_vreg.scatter [tilespmem:s14], [sflag:$0x1], $0x80, v3, vm0, $0xb8;
	[tilespmem:$0xC080] =	vst v63  }
0x2e: {  	v3 =	vld [tilespmem:$0x10];
	_ =	sdelay $0x4  }
0x2f: {  	v57 =	vshrl.u32 v3, $0x3  }
0x30: {  	v4 =	vmul.u32 $0x30, v57  }
0x31: {  	v3 =	vand.u32 $0x7, v3  }
0x32: {  	v3 =	vor.u32 v3, v4  }
0x33: {  	v4 =	vperm.xlane v3, v0;
	_ =	sdelay $0x1  }
0x34: {  	v4 =	vadd.s32 v1, v4;
	_ =	sdelay $0x3  }
0x35: {  	v3 =	vperm.xlane v3, v2  }
0x36: {  	[hbm4b:s3+s2] =	stream.indirect_vreg.scatter [tilespmem:s15], [sflag:$0x1], $0x80, v4, vm0, $0xb8;
	[tilespmem:$0xC080] =	vst v63  }
0x37: {  	v3 =	vadd.s32 v1, v3  }
0x38: {  	[hbm4b:s4+s2] =	stream.indirect_vreg.scatter [tilespmem:s16], [sflag:$0x1], $0x80, v4, vm0, $0xb8;
	[tilespmem:$0xC080] =	vst v63  }
0x39: {  	_ = 	snop  }
0x3a: {  	[hbm4b:s5+s2] =	stream.indirect_vreg.scatter [tilespmem:s17], [sflag:$0x1], $0x80, v4, vm0, $0xb8;
	[tilespmem:$0xC080] =	vst v63  }
0x3b: {  	_ = 	snop  }
0x3c: {  	[hbm4b:s3+s2] =	stream.indirect_vreg.scatter [tilespmem:s18], [sflag:$0x1], $0x80, v3, vm0, $0xb8;
	[tilespmem:$0xC080] =	vst v63  }
0x3d: {  	_ = 	snop  }
0x3e: {  	[hbm4b:s4+s2] =	stream.indirect_vreg.scatter [tilespmem:s19], [sflag:$0x1], $0x80, v3, vm0, $0xb8;
	[tilespmem:$0xC080] =	vst v63  }
0x3f: {  	_ = 	snop  }
0x40: {  	[hbm4b:s5+s2] =	stream.indirect_vreg.scatter [tilespmem:s20], [sflag:$0x1], $0x80, v3, vm0, $0xb8;
	[tilespmem:$0xC080] =	vst v63  }
0x41: {  	v3 =	vld [tilespmem:$0x20];
	_ =	sdelay $0x4  }
0x42: {  	v58 =	vshrl.u32 v3, $0x3  }
0x43: {  	v4 =	vmul.u32 $0x30, v58  }
0x44: {  	v3 =	vand.u32 $0x7, v3  }
0x45: {  	v3 =	vor.u32 v3, v4  }
0x46: {  	v4 =	vperm.xlane v3, v0;
	_ =	sdelay $0x1  }
0x47: {  	v4 =	vadd.s32 v1, v4;
	_ =	sdelay $0x3  }
0x48: {  	v3 =	vperm.xlane v3, v2  }
0x49: {  	[hbm4b:s3+s2] =	stream.indirect_vreg.scatter [tilespmem:s21], [sflag:$0x1], $0x80, v4, vm0, $0xb8;
	[tilespmem:$0xC080] =	vst v63  }
0x4a: {  	v3 =	vadd.s32 v1, v3  }
0x4b: {  	[hbm4b:s4+s2] =	stream.indirect_vreg.scatter [tilespmem:s22], [sflag:$0x1], $0x80, v4, vm0, $0xb8;
	[tilespmem:$0xC080] =	vst v63  }
0x4c: {  	_ = 	snop  }
0x4d: {  	[hbm4b:s5+s2] =	stream.indirect_vreg.scatter [tilespmem:s23], [sflag:$0x1], $0x80, v4, vm0, $0xb8;
	[tilespmem:$0xC080] =	vst v63  }
0x4e: {  	_ = 	snop  }
0x4f: {  	[hbm4b:s3+s2] =	stream.indirect_vreg.scatter [tilespmem:s24], [sflag:$0x1], $0x80, v3, vm0, $0xb8;
	[tilespmem:$0xC080] =	vst v63  }
0x50: {  	_ = 	snop  }
0x51: {  	[hbm4b:s4+s2] =	stream.indirect_vreg.scatter [tilespmem:s25], [sflag:$0x1], $0x80, v3, vm0, $0xb8;
	[tilespmem:$0xC080] =	vst v63  }
0x52: {  	_ = 	snop  }
0x53: {  	[hbm4b:s5+s2] =	stream.indirect_vreg.scatter [tilespmem:s26], [sflag:$0x1], $0x80, v3, vm0, $0xb8;
	[tilespmem:$0xC080] =	vst v63  }
0x54: {  	v3 =	vld [tilespmem:$0x30];
	_ =	sdelay $0x4  }
0x55: {  	v59 =	vshrl.u32 v3, $0x3  }
0x56: {  	v4 =	vmul.u32 $0x30, v59  }
0x57: {  	v3 =	vand.u32 $0x7, v3  }
0x58: {  	v3 =	vor.u32 v3, v4  }
0x59: {  	v4 =	vperm.xlane v3, v0;
	_ =	sdelay $0x1  }
0x5a: {  	v4 =	vadd.s32 v1, v4;
	_ =	sdelay $0x3  }
0x5b: {  	v3 =	vperm.xlane v3, v2  }
0x5c: {  	[hbm4b:s3+s2] =	stream.indirect_vreg.scatter [tilespmem:s28], [sflag:$0x1], $0x80, v4, vm0, $0xb8;
	[tilespmem:$0xC080] =	vst v63  }
0x5d: {  	v3 =	vadd.s32 v1, v3  }
0x5e: {  	[hbm4b:s4+s2] =	stream.indirect_vreg.scatter [tilespmem:s29], [sflag:$0x1], $0x80, v4, vm0, $0xb8;
	[tilespmem:$0xC080] =	vst v63  }
0x5f: {  	_ = 	snop  }
0x60: {  	[hbm4b:s5+s2] =	stream.indirect_vreg.scatter [tilespmem:s30], [sflag:$0x1], $0x80, v4, vm0, $0xb8;
	[tilespmem:$0xC080] =	vst v63  }
0x61: {  	_ = 	snop  }
0x62: {  	[hbm4b:s3+s2] =	stream.indirect_vreg.scatter [tilespmem:s31], [sflag:$0x1], $0x80, v3, vm0, $0xb8;
	[tilespmem:$0xC080] =	vst v63  }
0x63: {  	s7 =	simm.s32 $0xB080  }
0x64: {  	[hbm4b:s4+s2] =	stream.indirect_vreg.scatter [tilespmem:s7], [sflag:$0x1], $0x80, v3, vm0, $0xb8;
	[tilespmem:$0xC080] =	vst v63  }
0x65: {  	s7 =	simm.s32 $0xB880  }
0x66: {  	[hbm4b:s5+s2] =	stream.indirect_vreg.scatter [tilespmem:s7], [sflag:$0x1], $0x80, v3, vm0, $0xb8;
	[tilespmem:$0xC080] =	vst v63  }
0x67: {  	_ =	swait.ge [sflag:s1], $0xC000  }
0x68: {  	[sflag:s1] =	ssyncset.done $0x0  }
0x69: {  	s9 =	rddreg [dreg:$0x5];
	[sflag:s1] =	ssyncadd.s32 $0xFFFF4000  }
0x6a: {  	[tilespmem:s2], [sflag:$0x2] =	stream.linear.gather [hbm4b:s9+s2], $0x40, $0x38;
	[tilespmem:$0xC080] =	vst v63  }
0x6b: {  	_ =	swait.ge [sflag:s8], $0x40  }
0x6c: {  	[sflag:s8] =	ssyncset.done $0x0  }
0x6d: {  	[sflag:s8] =	ssyncadd.s32 $0xFFFFFFC0  }
0x6e: {  	v3 =	vld [tilespmem:$0x0];
	_ =	sdelay $0x4  }
0x6f: {  	v60 =	vshrl.u32 v3, $0x3  }
0x70: {  	v4 =	vmul.u32 $0x30, v60  }
0x71: {  	v3 =	vand.u32 $0x7, v3  }
0x72: {  	v3 =	vor.u32 v3, v4  }
0x73: {  	v4 =	vperm.xlane v3, v0;
	_ =	sdelay $0x1  }
0x74: {  	v4 =	vadd.s32 v1, v4;
	_ =	sdelay $0x3  }
0x75: {  	v3 =	vperm.xlane v3, v2  }
0x76: {  	[hbm4b:s3+s2] =	stream.indirect_vreg.scatter [tilespmem:s0], [sflag:$0x1], $0x80, v4, vm0, $0xb8;
	[tilespmem:$0xC080] =	vst v63  }
0x77: {  	v3 =	vadd.s32 v1, v3  }
0x78: {  	[hbm4b:s4+s2] =	stream.indirect_vreg.scatter [tilespmem:s10], [sflag:$0x1], $0x80, v4, vm0, $0xb8;
	[tilespmem:$0xC080] =	vst v63  }
0x79: {  	_ = 	snop  }
0x7a: {  	[hbm4b:s5+s2] =	stream.indirect_vreg.scatter [tilespmem:s11], [sflag:$0x1], $0x80, v4, vm0, $0xb8;
	[tilespmem:$0xC080] =	vst v63  }
0x7b: {  	_ = 	snop  }
0x7c: {  	[hbm4b:s3+s2] =	stream.indirect_vreg.scatter [tilespmem:s12], [sflag:$0x1], $0x80, v3, vm0, $0xb8;
	[tilespmem:$0xC080] =	vst v63  }
0x7d: {  	_ = 	snop  }
0x7e: {  	[hbm4b:s4+s2] =	stream.indirect_vreg.scatter [tilespmem:s13], [sflag:$0x1], $0x80, v3, vm0, $0xb8;
	[tilespmem:$0xC080] =	vst v63  }
0x7f: {  	_ = 	snop  }
0x80: {  	[hbm4b:s5+s2] =	stream.indirect_vreg.scatter [tilespmem:s14], [sflag:$0x1], $0x80, v3, vm0, $0xb8;
	[tilespmem:$0xC080] =	vst v63  }
0x81: {  	v3 =	vld [tilespmem:$0x10];
	_ =	sdelay $0x4  }
0x82: {  	v61 =	vshrl.u32 v3, $0x3  }
0x83: {  	v4 =	vmul.u32 $0x30, v61  }
0x84: {  	v3 =	vand.u32 $0x7, v3  }
0x85: {  	v3 =	vor.u32 v3, v4  }
0x86: {  	v4 =	vperm.xlane v3, v0;
	_ =	sdelay $0x1  }
0x87: {  	v4 =	vadd.s32 v1, v4;
	_ =	sdelay $0x3  }
0x88: {  	v3 =	vperm.xlane v3, v2  }
0x89: {  	[hbm4b:s3+s2] =	stream.indirect_vreg.scatter [tilespmem:s15], [sflag:$0x1], $0x80, v4, vm0, $0xb8;
	[tilespmem:$0xC080] =	vst v63  }
0x8a: {  	v3 =	vadd.s32 v1, v3  }
0x8b: {  	[hbm4b:s4+s2] =	stream.indirect_vreg.scatter [tilespmem:s16], [sflag:$0x1], $0x80, v4, vm0, $0xb8;
	[tilespmem:$0xC080] =	vst v63  }
0x8c: {  	_ = 	snop  }
0x8d: {  	[hbm4b:s5+s2] =	stream.indirect_vreg.scatter [tilespmem:s17], [sflag:$0x1], $0x80, v4, vm0, $0xb8;
	[tilespmem:$0xC080] =	vst v63  }
0x8e: {  	_ = 	snop  }
0x8f: {  	[hbm4b:s3+s2] =	stream.indirect_vreg.scatter [tilespmem:s18], [sflag:$0x1], $0x80, v3, vm0, $0xb8;
	[tilespmem:$0xC080] =	vst v63  }
0x90: {  	_ = 	snop  }
0x91: {  	[hbm4b:s4+s2] =	stream.indirect_vreg.scatter [tilespmem:s19], [sflag:$0x1], $0x80, v3, vm0, $0xb8;
	[tilespmem:$0xC080] =	vst v63  }
0x92: {  	_ = 	snop  }
0x93: {  	[hbm4b:s5+s2] =	stream.indirect_vreg.scatter [tilespmem:s20], [sflag:$0x1], $0x80, v3, vm0, $0xb8;
	[tilespmem:$0xC080] =	vst v63  }
0x94: {  	v3 =	vld [tilespmem:$0x20];
	_ =	sdelay $0x4  }
0x95: {  	v62 =	vshrl.u32 v3, $0x3  }
0x96: {  	v4 =	vmul.u32 $0x30, v62  }
0x97: {  	v3 =	vand.u32 $0x7, v3  }
0x98: {  	v3 =	vor.u32 v3, v4  }
0x99: {  	v4 =	vperm.xlane v3, v0;
	_ =	sdelay $0x1  }
0x9a: {  	v4 =	vadd.s32 v1, v4;
	_ =	sdelay $0x3  }
0x9b: {  	v3 =	vperm.xlane v3, v2  }
0x9c: {  	[hbm4b:s3+s2] =	stream.indirect_vreg.scatter [tilespmem:s21], [sflag:$0x1], $0x80, v4, vm0, $0xb8;
	[tilespmem:$0xC080] =	vst v63  }
0x9d: {  	v3 =	vadd.s32 v1, v3  }
0x9e: {  	[hbm4b:s4+s2] =	stream.indirect_vreg.scatter [tilespmem:s22], [sflag:$0x1], $0x80, v4, vm0, $0xb8;
	[tilespmem:$0xC080] =	vst v63  }
0x9f: {  	_ = 	snop  }
0xa0: {  	[hbm4b:s5+s2] =	stream.indirect_vreg.scatter [tilespmem:s23], [sflag:$0x1], $0x80, v4, vm0, $0xb8;
	[tilespmem:$0xC080] =	vst v63  }
0xa1: {  	_ = 	snop  }
0xa2: {  	[hbm4b:s3+s2] =	stream.indirect_vreg.scatter [tilespmem:s24], [sflag:$0x1], $0x80, v3, vm0, $0xb8;
	[tilespmem:$0xC080] =	vst v63  }
0xa3: {  	_ = 	snop  }
0xa4: {  	[hbm4b:s4+s2] =	stream.indirect_vreg.scatter [tilespmem:s25], [sflag:$0x1], $0x80, v3, vm0, $0xb8;
	[tilespmem:$0xC080] =	vst v63  }
0xa5: {  	_ = 	snop  }
0xa6: {  	[hbm4b:s5+s2] =	stream.indirect_vreg.scatter [tilespmem:s26], [sflag:$0x1], $0x80, v3, vm0, $0xb8;
	[tilespmem:$0xC080] =	vst v63  }
0xa7: {  	v3 =	vld [tilespmem:$0x30];
	_ =	sdelay $0x4  }
0xa8: {  	v63 =	vshrl.u32 v3, $0x3  }
0xa9: {  	v4 =	vmul.u32 $0x30, v63  }
0xaa: {  	v3 =	vand.u32 $0x7, v3  }
0xab: {  	v3 =	vor.u32 v3, v4  }
0xac: {  	v4 =	vperm.xlane v3, v0;
	_ =	sdelay $0x1  }
0xad: {  	v4 =	vadd.s32 v1, v4;
	_ =	sdelay $0x3  }
0xae: {  	v3 =	vperm.xlane v3, v2  }
0xaf: {  	[hbm4b:s3+s2] =	stream.indirect_vreg.scatter [tilespmem:s28], [sflag:$0x1], $0x80, v4, vm0, $0xb8;
	[tilespmem:$0xC080] =	vst v63  }
0xb0: {  	v3 =	vadd.s32 v1, v3  }
0xb1: {  	[hbm4b:s4+s2] =	stream.indirect_vreg.scatter [tilespmem:s29], [sflag:$0x1], $0x80, v4, vm0, $0xb8;
	[tilespmem:$0xC080] =	vst v63  }
0xb2: {  	_ = 	snop  }
0xb3: {  	[hbm4b:s5+s2] =	stream.indirect_vreg.scatter [tilespmem:s30], [sflag:$0x1], $0x80, v4, vm0, $0xb8;
	[tilespmem:$0xC080] =	vst v63  }
0xb4: {  	_ = 	snop  }
0xb5: {  	[hbm4b:s3+s2] =	stream.indirect_vreg.scatter [tilespmem:s31], [sflag:$0x1], $0x80, v3, vm0, $0xb8;
	[tilespmem:$0xC080] =	vst v63  }
0xb6: {  	p0 =	sne.s32 s6, $0x1;
	s9 =	simm.s32 $0xB080  }
0xb7: {  	[hbm4b:s4+s2] =	stream.indirect_vreg.scatter [tilespmem:s9], [sflag:$0x1], $0x80, v3, vm0, $0xb8;
	[tilespmem:$0xC080] =	vst v63  }
.Ltmp0:
0xb8: {  	_ = 	snop;
	(pc) =	sbr.rel @p0 .LBB2_1-.Ltmp0, $4  }
0xb9: {  	[hbm4b:s5+s2] =	stream.indirect_vreg.scatter [tilespmem:s7], [sflag:$0x1], $0x80, v3, vm0, $0xb8;
	[tilespmem:$0xC080] =	vst v63  }
0xba: {  	_ =	swait.ge [sflag:s1], $0xC000  }
0xbb: {  	[sflag:s1] =	ssyncset.done $0x0  }
0xbc: {  	s6 =	sadd.s32 $0xFFFFFFFF, s6;
	[sflag:s1] =	ssyncadd.s32 $0xFFFF4000  }
0xbd: {  	_ =	sfence.sel $0x180000  }
0xbe: {  	[bflag:$0x0] =	sbarrier.arrive $0xFFFF  }
0xbf: {  	_ =	strace $0x90000047  }
0xc0: {  	s0 =	stileid.u32;
	[bflag:$0x2] =	sbarrier.arrive $0xFFFF  }
0xc1: {  	p0 =	sne.s32 s0, $0x0;
	s0 =	rddreg [dreg:$0x2]  }
0xc2: {  	s0 =	sadd.s32 @!p0 $0x100000, s0  }
0xc3: {  	[sflag:s0] =	ssyncadd.tile.s32 @!p0 $0x1;
	_ =	shalt  }
.Lfunc_end2:
_tile_overlayer_lowered:
.L_overlay_start_2:
0xc4: {  	(tag) =	ssettag $0x2  }
0xc5: {  	s0 =	rddreg [dreg:$0x0];
	s2 =	stileid.u32  }
0xc6: {  	s1 =	rddreg [dreg:$0x1];
	p0 =	sne.s32 s2, $0x0  }
0xc7: {  	s3 =	rddreg [dreg:$0x2];
	[bflag:$0x3] =	sbarrier.arrive $0xFFFF;
	s2 =	simm.s32 @!p0 $0x1C02  }
0xc8: {  	[timem:s3], [sflag:s2] =	dma.local @!p0 [hbm:s0], s1  }
0xc9: {  	s0 =	simm.s32 @!p0 $0x2  }
0xca: {  	_ =	swait.ge @!p0 [sflag:s0], s1  }
0xcb: {  	s1 =	ssub.s32 @!p0 $0x0, s1;
	[sflag:s0] =	ssyncset.done @!p0 $0x0  }
0xcc: {  	[sflag:s0] =	ssyncadd.s32 @!p0 s1  }
0xcd: {  	[bflag:$0x3] =	sbarrier.arrive $0xFFFF  }
0xce: {  	_ =	shalt  }

</sc_bundles>
